<compile_context>
chip_gen: v7x
topology: tpu7x:2x2x1
jax: 0.10.2.dev20260603
libtpu: 0.0.44.dev20260713+nightly
codegen_flags: <defaults>
</compile_context>

<pallas_src>
import functools

import jax
import jax.numpy as jnp
from jax import lax
from jax.experimental import pallas as pl
from jax.experimental.pallas import tpu as pltpu
from jax.experimental.pallas import tpu_sc as plsc

_G = 2
_V = 320
_D = 256
_TILE = 512


def _vq_tc_body(x_ref, w_ref, b_ref, idx_ref, perp_ref, acc_ref):
    i = pl.program_id(0)
    n = pl.num_programs(0)

    x = x_ref[...]
    logits = lax.dot_general(
        x, w_ref[...], (((1,), (1,)), ((), ()))
    ) + b_ref[...]

    iota = lax.broadcasted_iota(jnp.int32, (_TILE, _V), 1)
    idxs = []
    counts = []
    for g in range(_G):
        lg = logits[:, g * _V:(g + 1) * _V]
        m = jnp.max(lg, axis=1, keepdims=True)
        cand = jnp.where(lg == m, iota, _V)
        idx = jnp.min(cand, axis=1, keepdims=True)
        oh = (iota == idx).astype(jnp.float32)
        idxs.append(idx + g * _V)
        counts.append(jnp.sum(oh, axis=0, keepdims=True))

    idx_ref[...] = jnp.concatenate(idxs, axis=1)

    @pl.when(i == 0)
    def _():
        acc_ref[...] = jnp.zeros_like(acc_ref)

    acc_ref[...] += jnp.concatenate(counts, axis=0)

    @pl.when(i == n - 1)
    def _():
        p = acc_ref[...] / jnp.float32(n * _TILE)
        ent = jnp.sum(p * jnp.log(p + 1e-7), axis=1, keepdims=True)
        perp_ref[...] = jnp.sum(jnp.exp(-ent), keepdims=True)


_INFO = plsc.get_sparse_core_info()
_NC = _INFO.num_cores
_NS = _INFO.num_subcores
_NW = _NC * _NS
_CHUNK = 128


def _sc_gather_body(idx_hbm, table_hbm, out_hbm, idx_v, rows0_v, rows1_v,
                    sem0, sem1):
    rows_total = out_hbm.shape[0]
    rows_per_w = rows_total // _NW
    wid = lax.axis_index("s") * _NC + lax.axis_index("c")
    base = wid * rows_per_w
    pltpu.sync_copy(idx_hbm.at[pl.ds(base, rows_per_w)], idx_v)

    nchunks = rows_per_w // _CHUNK
    bufs = (rows0_v, rows1_v)
    sems = (sem0, sem1)
    copies = [None, None]
    for c in range(nchunks):
        s = c % 2
        copies[s] = pltpu.async_copy(
            table_hbm.at[idx_v.at[pl.ds(c * _CHUNK, _CHUNK)]], bufs[s],
            sems[s])
        if c > 0:
            copies[1 - s].wait()
            pltpu.sync_copy(
                bufs[1 - s], out_hbm.at[pl.ds(base + (c - 1) * _CHUNK,
                                              _CHUNK)])
    last = (nchunks - 1) % 2
    copies[last].wait()
    pltpu.sync_copy(
        bufs[last], out_hbm.at[pl.ds(base + (nchunks - 1) * _CHUNK, _CHUNK)])


def kernel(hidden_states, W, b, codevectors):
    B, S, H = hidden_states.shape
    N = B * S
    x = hidden_states.reshape(N, H)
    cv = codevectors.reshape(_G * _V, _D)
    b2 = b.reshape(1, _G * _V)

    idx2d, perp = pl.pallas_call(
        _vq_tc_body,
        grid=(N // _TILE,),
        in_specs=[
            pl.BlockSpec((_TILE, H), lambda i: (i, 0)),
            pl.BlockSpec((_G * _V, H), lambda i: (0, 0)),
            pl.BlockSpec((1, _G * _V), lambda i: (0, 0)),
        ],
        out_specs=[
            pl.BlockSpec((_TILE, _G), lambda i: (i, 0)),
            pl.BlockSpec((1, 1), lambda i: (0, 0)),
        ],
        out_shape=[
            jax.ShapeDtypeStruct((N, _G), jnp.int32),
            jax.ShapeDtypeStruct((1, 1), jnp.float32),
        ],
        scratch_shapes=[pltpu.VMEM((_G, _V), jnp.float32)],
        compiler_params=pltpu.CompilerParams(
            dimension_semantics=("arbitrary",)
        ),
    )(x, W, b2)

    idx_flat = idx2d.reshape(N * _G)

    sc_gather = functools.partial(
        pl.kernel,
        mesh=plsc.VectorSubcoreMesh(core_axis_name="c", subcore_axis_name="s"),
        out_type=jax.ShapeDtypeStruct((N * _G, _D), jnp.float32),
        scratch_types=[
            pltpu.VMEM((N * _G // _NW,), jnp.int32),
            pltpu.VMEM((_CHUNK, _D), jnp.float32),
            pltpu.VMEM((_CHUNK, _D), jnp.float32),
            pltpu.SemaphoreType.DMA,
            pltpu.SemaphoreType.DMA,
        ],
    )(_sc_gather_body)

    rows = sc_gather(idx_flat, cv)
    return rows.reshape(B, S, _G * _D), perp[0, 0]

# --- scband reference (transcript-rebuilt; emitter-appended) ---
"""Pipeline reference for scband-wav2-vec2-gumbel-vector-quantizer-84043920048495 (READ-ONLY COPY).

The authoritative reference and input builder live on the scoring server;
editing this copy changes nothing except your own understanding.
"""

import jax, jax.numpy as jnp
import numpy as np

G = 2
V = 320
CODEVECTOR_DIM = 512


def setup_inputs(seed: int = 0) -> dict:
    key = jax.random.key(seed)
    k1, k2, k3 = jax.random.split(key, 3)
    hidden_states = jax.random.normal(k1, (4, 2048, 1024), dtype=jnp.float32)
    # weight_proj: Linear(1024 -> G*V), weight ~ N(0,1), bias zero (per module init)
    W = jax.random.normal(k2, (G * V, 1024), dtype=jnp.float32)
    b = jnp.zeros((G * V,), dtype=jnp.float32)
    # codevectors: (1, G*V, codevector_dim // G), uniform init
    codevectors = jax.random.uniform(k3, (1, G * V, CODEVECTOR_DIM // G), dtype=jnp.float32)
    return {"hidden_states": hidden_states, "W": W, "b": b, "codevectors": codevectors}


def reference(hidden_states, W, b, codevectors):
    # Eval-mode (deterministic) branch of Wav2Vec2GumbelVectorQuantizer.forward
    B, S, H = hidden_states.shape
    logits = hidden_states @ W.T + b  # (B, S, G*V)
    logits = logits.reshape(B * S * G, V)
    codevector_idx = jnp.argmax(logits, axis=-1)  # (B*S*G,)
    # scatter 1.0 at argmax -> hard one-hot
    codevector_probs = jax.nn.one_hot(codevector_idx, V, dtype=logits.dtype)  # (B*S*G, V)
    probs_g = codevector_probs.reshape(B * S, G, V)
    # perplexity (no mask)
    marginal_probs = probs_g.mean(axis=0)  # (G, V)
    perplexity = jnp.exp(-jnp.sum(marginal_probs * jnp.log(marginal_probs + 1e-07), axis=-1)).sum()
    cp = probs_g.reshape(B * S, G * V)
    codevectors_per_group = cp[:, :, None] * codevectors  # (B*S, G*V, cd//G)
    out = codevectors_per_group.reshape(B * S, G, V, -1).sum(axis=-2).reshape(B, S, -1)
    return (out, perplexity)

if __name__ == "__main__":
    import jax
    _d = setup_inputs()
    print(jax.jit(kernel)(*tuple(_d.values())))

</pallas_src>

<mosaic_0001>
#map = affine_map<(d0, d1) -> (0)>
#map1 = affine_map<(d0, d1) -> (0, 0)>
module attributes {stable_mosaic.version = 14 : i64} {
  func.func @_sc_gather_body(%arg0: i32, %arg1: i32, %arg2: memref<16384xi32, #tpu.memory_space<hbm>>, %arg3: memref<640x256xf32, #tpu.memory_space<hbm>>, %arg4: memref<16384x256xf32, #tpu.memory_space<hbm>>, %arg5: memref<512xi32, #tpu.memory_space<vmem>>, %arg6: memref<128x256xf32, #tpu.memory_space<vmem>>, %arg7: memref<128x256xf32, #tpu.memory_space<vmem>>, %arg8: memref<!tpu.dma_semaphore, #tpu.memory_space<semaphore_mem>>, %arg9: memref<!tpu.dma_semaphore, #tpu.memory_space<semaphore_mem>>) attributes {dimension_semantics = [#tpu.dimension_semantics<core_parallel>, #tpu.dimension_semantics<subcore_parallel>], iteration_bounds = array<i64: 2, 16>, scalar_prefetch = 0 : i64, scratch_operands = 5 : i64, tpu.core_type = #tpu.core_type<sc_vector_subcore>, window_params = [{transform_indices = #map}, {transform_indices = #map1}, {transform_indices = #map1}]} {
    %mul3A = arith.constant 2 : i32
    %mul3A_0 = arith.muli %arg1, %mul3A : i32
    %add3A = arith.addi %mul3A_0, %arg0 : i32
    %mul3A_1 = arith.constant 512 : i32
    %mul3A_2 = arith.muli %add3A, %mul3A_1 : i32
    "tpu.region"() ({
      %run_scoped3A = tpu.sem_alloc : memref<!tpu.dma_semaphore, #tpu.memory_space<semaphore_mem>>
      %dma_start3A_49 = tpu.memref_slice %arg2[%mul3A_2] : memref<16384xi32, #tpu.memory_space<hbm>> -> memref<512xi32, #tpu.memory_space<hbm>>
      %dma_start3A_50 = tpu.memref_slice %arg2[%mul3A_2] : memref<16384xi32, #tpu.memory_space<hbm>> -> memref<512xi32, #tpu.memory_space<hbm>>
      tpu.enqueue_dma source(%dma_start3A_50 : memref<512xi32, #tpu.memory_space<hbm>>) target(%arg5 : memref<512xi32, #tpu.memory_space<vmem>>) target_semaphore(%run_scoped3A : memref<!tpu.dma_semaphore, #tpu.memory_space<semaphore_mem>>)
      %dma_wait3A_51 = tpu.memref_slice %arg2[%mul3A_2] : memref<16384xi32, #tpu.memory_space<hbm>> -> memref<512xi32, #tpu.memory_space<hbm>>
      %dma_wait3A_52 = tpu.memref_slice %arg2[%mul3A_2] : memref<16384xi32, #tpu.memory_space<hbm>> -> memref<512xi32, #tpu.memory_space<hbm>>
      tpu.wait_dma2 semaphore(%run_scoped3A : memref<!tpu.dma_semaphore, #tpu.memory_space<semaphore_mem>>) src(%dma_wait3A_52 : memref<512xi32, #tpu.memory_space<hbm>>) dst(%arg5 : memref<512xi32, #tpu.memory_space<vmem>>)
      tpu.yield
    }) : () -> ()
    %dma_start3A = arith.constant 0 : i32
    %dma_start3A_3 = tpu.memref_slice %arg5[%dma_start3A] : memref<512xi32, #tpu.memory_space<vmem>> -> memref<128xi32, #tpu.memory_space<vmem>>
    %dma_start3A_4 = arith.constant 0 : i32
    %dma_start3A_5 = arith.constant 0 : i32
    %dma_start3A_6 = tpu.memref_slice %arg3[%dma_start3A_4, %dma_start3A_5] : memref<640x256xf32, #tpu.memory_space<hbm>> -> memref<640x256xf32, #tpu.memory_space<hbm>>
    tpu.enqueue_indirect_dma source(%dma_start3A_6 : memref<640x256xf32, #tpu.memory_space<hbm>>) target(%arg6 : memref<128x256xf32, #tpu.memory_space<vmem>>) offsets(%dma_start3A_3 : memref<128xi32, #tpu.memory_space<vmem>>) semaphore(%arg8 : memref<!tpu.dma_semaphore, #tpu.memory_space<semaphore_mem>>)
    %dma_start3A_7 = arith.constant 128 : i32
    %dma_start3A_8 = tpu.memref_slice %arg5[%dma_start3A_7] : memref<512xi32, #tpu.memory_space<vmem>> -> memref<128xi32, #tpu.memory_space<vmem>>
    %dma_start3A_9 = arith.constant 0 : i32
    %dma_start3A_10 = arith.constant 0 : i32
    %dma_start3A_11 = tpu.memref_slice %arg3[%dma_start3A_9, %dma_start3A_10] : memref<640x256xf32, #tpu.memory_space<hbm>> -> memref<640x256xf32, #tpu.memory_space<hbm>>
    tpu.enqueue_indirect_dma source(%dma_start3A_11 : memref<640x256xf32, #tpu.memory_space<hbm>>) target(%arg7 : memref<128x256xf32, #tpu.memory_space<vmem>>) offsets(%dma_start3A_8 : memref<128xi32, #tpu.memory_space<vmem>>) semaphore(%arg9 : memref<!tpu.dma_semaphore, #tpu.memory_space<semaphore_mem>>)
    %dma_wait3A = arith.constant 0 : i32
    %dma_wait3A_12 = tpu.memref_slice %arg5[%dma_wait3A] : memref<512xi32, #tpu.memory_space<vmem>> -> memref<128xi32, #tpu.memory_space<vmem>>
    %dma_wait3A_13 = arith.constant 0 : i32
    %dma_wait3A_14 = arith.constant 0 : i32
    %dma_wait3A_15 = tpu.memref_slice %arg3[%dma_wait3A_13, %dma_wait3A_14] : memref<640x256xf32, #tpu.memory_space<hbm>> -> memref<640x256xf32, #tpu.memory_space<hbm>>
    tpu.wait_indirect_dma semaphore(%arg8 : memref<!tpu.dma_semaphore, #tpu.memory_space<semaphore_mem>>) src(%dma_wait3A_15 : memref<640x256xf32, #tpu.memory_space<hbm>>) dst(%arg6 : memref<128x256xf32, #tpu.memory_space<vmem>>)
    %add3A_16 = arith.constant 0 : i32
    %add3A_17 = arith.addi %mul3A_2, %add3A_16 : i32
    "tpu.region"() ({
      %run_scoped3A = tpu.sem_alloc : memref<!tpu.dma_semaphore, #tpu.memory_space<semaphore_mem>>
      %dma_start3A_49 = arith.constant 0 : i32
      %dma_start3A_50 = tpu.memref_slice %arg4[%add3A_17, %dma_start3A_49] : memref<16384x256xf32, #tpu.memory_space<hbm>> -> memref<128x256xf32, #tpu.memory_space<hbm>>
      %dma_start3A_51 = arith.constant 0 : i32
      %dma_start3A_52 = tpu.memref_slice %arg4[%add3A_17, %dma_start3A_51] : memref<16384x256xf32, #tpu.memory_space<hbm>> -> memref<128x256xf32, #tpu.memory_space<hbm>>
      tpu.enqueue_dma source(%arg6 : memref<128x256xf32, #tpu.memory_space<vmem>>) target(%dma_start3A_52 : memref<128x256xf32, #tpu.memory_space<hbm>>) target_semaphore(%run_scoped3A : memref<!tpu.dma_semaphore, #tpu.memory_space<semaphore_mem>>)
      %dma_wait3A_53 = arith.constant 0 : i32
      %dma_wait3A_54 = tpu.memref_slice %arg4[%add3A_17, %dma_wait3A_53] : memref<16384x256xf32, #tpu.memory_space<hbm>> -> memref<128x256xf32, #tpu.memory_space<hbm>>
      %dma_wait3A_55 = arith.constant 0 : i32
      %dma_wait3A_56 = tpu.memref_slice %arg4[%add3A_17, %dma_wait3A_55] : memref<16384x256xf32, #tpu.memory_space<hbm>> -> memref<128x256xf32, #tpu.memory_space<hbm>>
      tpu.wait_dma2 semaphore(%run_scoped3A : memref<!tpu.dma_semaphore, #tpu.memory_space<semaphore_mem>>) src(%arg6 : memref<128x256xf32, #tpu.memory_space<vmem>>) dst(%dma_wait3A_56 : memref<128x256xf32, #tpu.memory_space<hbm>>)
      tpu.yield
    }) : () -> ()
    %dma_start3A_18 = arith.constant 256 : i32
    %dma_start3A_19 = tpu.memref_slice %arg5[%dma_start3A_18] : memref<512xi32, #tpu.memory_space<vmem>> -> memref<128xi32, #tpu.memory_space<vmem>>
    %dma_start3A_20 = arith.constant 0 : i32
    %dma_start3A_21 = arith.constant 0 : i32
    %dma_start3A_22 = tpu.memref_slice %arg3[%dma_start3A_20, %dma_start3A_21] : memref<640x256xf32, #tpu.memory_space<hbm>> -> memref<640x256xf32, #tpu.memory_space<hbm>>
    tpu.enqueue_indirect_dma source(%dma_start3A_22 : memref<640x256xf32, #tpu.memory_space<hbm>>) target(%arg6 : memref<128x256xf32, #tpu.memory_space<vmem>>) offsets(%dma_start3A_19 : memref<128xi32, #tpu.memory_space<vmem>>) semaphore(%arg8 : memref<!tpu.dma_semaphore, #tpu.memory_space<semaphore_mem>>)
    %dma_wait3A_23 = arith.constant 128 : i32
    %dma_wait3A_24 = tpu.memref_slice %arg5[%dma_wait3A_23] : memref<512xi32, #tpu.memory_space<vmem>> -> memref<128xi32, #tpu.memory_space<vmem>>
    %dma_wait3A_25 = arith.constant 0 : i32
    %dma_wait3A_26 = arith.constant 0 : i32
    %dma_wait3A_27 = tpu.memref_slice %arg3[%dma_wait3A_25, %dma_wait3A_26] : memref<640x256xf32, #tpu.memory_space<hbm>> -> memref<640x256xf32, #tpu.memory_space<hbm>>
    tpu.wait_indirect_dma semaphore(%arg9 : memref<!tpu.dma_semaphore, #tpu.memory_space<semaphore_mem>>) src(%dma_wait3A_27 : memref<640x256xf32, #tpu.memory_space<hbm>>) dst(%arg7 : memref<128x256xf32, #tpu.memory_space<vmem>>)
    %add3A_28 = arith.constant 128 : i32
    %add3A_29 = arith.addi %mul3A_2, %add3A_28 : i32
    "tpu.region"() ({
      %run_scoped3A = tpu.sem_alloc : memref<!tpu.dma_semaphore, #tpu.memory_space<semaphore_mem>>
      %dma_start3A_49 = arith.constant 0 : i32
      %dma_start3A_50 = tpu.memref_slice %arg4[%add3A_29, %dma_start3A_49] : memref<16384x256xf32, #tpu.memory_space<hbm>> -> memref<128x256xf32, #tpu.memory_space<hbm>>
      %dma_start3A_51 = arith.constant 0 : i32
      %dma_start3A_52 = tpu.memref_slice %arg4[%add3A_29, %dma_start3A_51] : memref<16384x256xf32, #tpu.memory_space<hbm>> -> memref<128x256xf32, #tpu.memory_space<hbm>>
      tpu.enqueue_dma source(%arg7 : memref<128x256xf32, #tpu.memory_space<vmem>>) target(%dma_start3A_52 : memref<128x256xf32, #tpu.memory_space<hbm>>) target_semaphore(%run_scoped3A : memref<!tpu.dma_semaphore, #tpu.memory_space<semaphore_mem>>)
      %dma_wait3A_53 = arith.constant 0 : i32
      %dma_wait3A_54 = tpu.memref_slice %arg4[%add3A_29, %dma_wait3A_53] : memref<16384x256xf32, #tpu.memory_space<hbm>> -> memref<128x256xf32, #tpu.memory_space<hbm>>
      %dma_wait3A_55 = arith.constant 0 : i32
      %dma_wait3A_56 = tpu.memref_slice %arg4[%add3A_29, %dma_wait3A_55] : memref<16384x256xf32, #tpu.memory_space<hbm>> -> memref<128x256xf32, #tpu.memory_space<hbm>>
      tpu.wait_dma2 semaphore(%run_scoped3A : memref<!tpu.dma_semaphore, #tpu.memory_space<semaphore_mem>>) src(%arg7 : memref<128x256xf32, #tpu.memory_space<vmem>>) dst(%dma_wait3A_56 : memref<128x256xf32, #tpu.memory_space<hbm>>)
      tpu.yield
    }) : () -> ()
    %dma_start3A_30 = arith.constant 384 : i32
    %dma_start3A_31 = tpu.memref_slice %arg5[%dma_start3A_30] : memref<512xi32, #tpu.memory_space<vmem>> -> memref<128xi32, #tpu.memory_space<vmem>>
    %dma_start3A_32 = arith.constant 0 : i32
    %dma_start3A_33 = arith.constant 0 : i32
    %dma_start3A_34 = tpu.memref_slice %arg3[%dma_start3A_32, %dma_start3A_33] : memref<640x256xf32, #tpu.memory_space<hbm>> -> memref<640x256xf32, #tpu.memory_space<hbm>>
    tpu.enqueue_indirect_dma source(%dma_start3A_34 : memref<640x256xf32, #tpu.memory_space<hbm>>) target(%arg7 : memref<128x256xf32, #tpu.memory_space<vmem>>) offsets(%dma_start3A_31 : memref<128xi32, #tpu.memory_space<vmem>>) semaphore(%arg9 : memref<!tpu.dma_semaphore, #tpu.memory_space<semaphore_mem>>)
    %dma_wait3A_35 = arith.constant 256 : i32
    %dma_wait3A_36 = tpu.memref_slice %arg5[%dma_wait3A_35] : memref<512xi32, #tpu.memory_space<vmem>> -> memref<128xi32, #tpu.memory_space<vmem>>
    %dma_wait3A_37 = arith.constant 0 : i32
    %dma_wait3A_38 = arith.constant 0 : i32
    %dma_wait3A_39 = tpu.memref_slice %arg3[%dma_wait3A_37, %dma_wait3A_38] : memref<640x256xf32, #tpu.memory_space<hbm>> -> memref<640x256xf32, #tpu.memory_space<hbm>>
    tpu.wait_indirect_dma semaphore(%arg8 : memref<!tpu.dma_semaphore, #tpu.memory_space<semaphore_mem>>) src(%dma_wait3A_39 : memref<640x256xf32, #tpu.memory_space<hbm>>) dst(%arg6 : memref<128x256xf32, #tpu.memory_space<vmem>>)
    %add3A_40 = arith.constant 256 : i32
    %add3A_41 = arith.addi %mul3A_2, %add3A_40 : i32
    "tpu.region"() ({
      %run_scoped3A = tpu.sem_alloc : memref<!tpu.dma_semaphore, #tpu.memory_space<semaphore_mem>>
      %dma_start3A_49 = arith.constant 0 : i32
      %dma_start3A_50 = tpu.memref_slice %arg4[%add3A_41, %dma_start3A_49] : memref<16384x256xf32, #tpu.memory_space<hbm>> -> memref<128x256xf32, #tpu.memory_space<hbm>>
      %dma_start3A_51 = arith.constant 0 : i32
      %dma_start3A_52 = tpu.memref_slice %arg4[%add3A_41, %dma_start3A_51] : memref<16384x256xf32, #tpu.memory_space<hbm>> -> memref<128x256xf32, #tpu.memory_space<hbm>>
      tpu.enqueue_dma source(%arg6 : memref<128x256xf32, #tpu.memory_space<vmem>>) target(%dma_start3A_52 : memref<128x256xf32, #tpu.memory_space<hbm>>) target_semaphore(%run_scoped3A : memref<!tpu.dma_semaphore, #tpu.memory_space<semaphore_mem>>)
      %dma_wait3A_53 = arith.constant 0 : i32
      %dma_wait3A_54 = tpu.memref_slice %arg4[%add3A_41, %dma_wait3A_53] : memref<16384x256xf32, #tpu.memory_space<hbm>> -> memref<128x256xf32, #tpu.memory_space<hbm>>
      %dma_wait3A_55 = arith.constant 0 : i32
      %dma_wait3A_56 = tpu.memref_slice %arg4[%add3A_41, %dma_wait3A_55] : memref<16384x256xf32, #tpu.memory_space<hbm>> -> memref<128x256xf32, #tpu.memory_space<hbm>>
      tpu.wait_dma2 semaphore(%run_scoped3A : memref<!tpu.dma_semaphore, #tpu.memory_space<semaphore_mem>>) src(%arg6 : memref<128x256xf32, #tpu.memory_space<vmem>>) dst(%dma_wait3A_56 : memref<128x256xf32, #tpu.memory_space<hbm>>)
      tpu.yield
    }) : () -> ()
    %dma_wait3A_42 = arith.constant 384 : i32
    %dma_wait3A_43 = tpu.memref_slice %arg5[%dma_wait3A_42] : memref<512xi32, #tpu.memory_space<vmem>> -> memref<128xi32, #tpu.memory_space<vmem>>
    %dma_wait3A_44 = arith.constant 0 : i32
    %dma_wait3A_45 = arith.constant 0 : i32
    %dma_wait3A_46 = tpu.memref_slice %arg3[%dma_wait3A_44, %dma_wait3A_45] : memref<640x256xf32, #tpu.memory_space<hbm>> -> memref<640x256xf32, #tpu.memory_space<hbm>>
    tpu.wait_indirect_dma semaphore(%arg9 : memref<!tpu.dma_semaphore, #tpu.memory_space<semaphore_mem>>) src(%dma_wait3A_46 : memref<640x256xf32, #tpu.memory_space<hbm>>) dst(%arg7 : memref<128x256xf32, #tpu.memory_space<vmem>>)
    %add3A_47 = arith.constant 384 : i32
    %add3A_48 = arith.addi %mul3A_2, %add3A_47 : i32
    "tpu.region"() ({
      %run_scoped3A = tpu.sem_alloc : memref<!tpu.dma_semaphore, #tpu.memory_space<semaphore_mem>>
      %dma_start3A_49 = arith.constant 0 : i32
      %dma_start3A_50 = tpu.memref_slice %arg4[%add3A_48, %dma_start3A_49] : memref<16384x256xf32, #tpu.memory_space<hbm>> -> memref<128x256xf32, #tpu.memory_space<hbm>>
      %dma_start3A_51 = arith.constant 0 : i32
      %dma_start3A_52 = tpu.memref_slice %arg4[%add3A_48, %dma_start3A_51] : memref<16384x256xf32, #tpu.memory_space<hbm>> -> memref<128x256xf32, #tpu.memory_space<hbm>>
      tpu.enqueue_dma source(%arg7 : memref<128x256xf32, #tpu.memory_space<vmem>>) target(%dma_start3A_52 : memref<128x256xf32, #tpu.memory_space<hbm>>) target_semaphore(%run_scoped3A : memref<!tpu.dma_semaphore, #tpu.memory_space<semaphore_mem>>)
      %dma_wait3A_53 = arith.constant 0 : i32
      %dma_wait3A_54 = tpu.memref_slice %arg4[%add3A_48, %dma_wait3A_53] : memref<16384x256xf32, #tpu.memory_space<hbm>> -> memref<128x256xf32, #tpu.memory_space<hbm>>
      %dma_wait3A_55 = arith.constant 0 : i32
      %dma_wait3A_56 = tpu.memref_slice %arg4[%add3A_48, %dma_wait3A_55] : memref<16384x256xf32, #tpu.memory_space<hbm>> -> memref<128x256xf32, #tpu.memory_space<hbm>>
      tpu.wait_dma2 semaphore(%run_scoped3A : memref<!tpu.dma_semaphore, #tpu.memory_space<semaphore_mem>>) src(%arg7 : memref<128x256xf32, #tpu.memory_space<vmem>>) dst(%dma_wait3A_56 : memref<128x256xf32, #tpu.memory_space<hbm>>)
      tpu.yield
    }) : () -> ()
    return
  }
}

module attributes {stable_mosaic.version = 14 : i64} {
  func.func @_vq_tc_body(%arg0: i32, %arg1: memref<512x1024xf32, #tpu.memory_space<vmem>>, %arg2: memref<640x1024xf32, #tpu.memory_space<vmem>>, %arg3: memref<1x640xf32, #tpu.memory_space<vmem>>, %arg4: memref<512x2xi32, #tpu.memory_space<vmem>>, %arg5: memref<1x1xf32, #tpu.memory_space<vmem>>, %arg6: memref<2x320xf32, #tpu.memory_space<vmem>>) attributes {dimension_semantics = [#tpu.dimension_semantics<arbitrary>], iteration_bounds = array<i64: 16>, scalar_prefetch = 0 : i64, scratch_operands = 1 : i64, tpu.core_type = #tpu.core_type<tc>, window_params = [{transform_indices = @transform_0, window_bounds = array<i64: 512, 1024>}, {pipeline_mode = #tpu.pipeline_mode<synchronous>, transform_indices = @transform_1, window_bounds = array<i64: 640, 1024>}, {pipeline_mode = #tpu.pipeline_mode<synchronous>, transform_indices = @transform_2, window_bounds = array<i64: 1, 640>}, {transform_indices = @transform_3, window_bounds = array<i64: 512, 2>}, {pipeline_mode = #tpu.pipeline_mode<synchronous>, transform_indices = @transform_4, window_bounds = array<i64: 1, 1>}]} {
    %get3A = arith.constant 0 : index
    %get3A_0 = arith.constant 0 : index
    %get3A_1 = vector.load %arg1[%get3A, %get3A_0] : memref<512x1024xf32, #tpu.memory_space<vmem>>, vector<512x1024xf32>
    %get3A_2 = arith.constant 0 : index
    %get3A_3 = arith.constant 0 : index
    %get3A_4 = vector.load %arg2[%get3A_2, %get3A_3] : memref<640x1024xf32, #tpu.memory_space<vmem>>, vector<640x1024xf32>
    %dot_general3A = arith.constant dense<0.000000e+00> : vector<512x640xf32>
    %dot_general3A_5 = tpu.matmul %get3A_1, %get3A_4, %dot_general3A {dimension_numbers = #tpu.dot_dimension_numbers<[1], [1], [0], [0], [0, 0, 1, 0], [], []>, transpose_lhs_hint = false} : vector<512x1024xf32>, vector<640x1024xf32>, vector<512x640xf32> -> vector<512x640xf32>
    %get3A_6 = arith.constant 0 : index
    %get3A_7 = arith.constant 0 : index
    %get3A_8 = vector.load %arg3[%get3A_6, %get3A_7] : memref<1x640xf32, #tpu.memory_space<vmem>>, vector<1x640xf32>
    %add3A = vector.broadcast %get3A_8 : vector<1x640xf32> to vector<512x640xf32>
    %add3A_9 = arith.addf %dot_general3A_5, %add3A : vector<512x640xf32>
    %iota3A = tpu.iota {dimensions = array<i32: 1>} : vector<512x320xi32>
    %slice3A = vector.extract_strided_slice %add3A_9 {offsets = [0, 0], sizes = [512, 320], strides = [1, 1]} : vector<512x640xf32> to vector<512x320xf32>
    %reduce_max3A = arith.constant dense<0xFF800000> : vector<512xf32>
    %reduce_max3A_10 = vector.multi_reduction <maximumf>, %slice3A, %reduce_max3A [1] : vector<512x320xf32> to vector<512xf32>
    %broadcast_in_dim3A = vector.shape_cast %reduce_max3A_10 : vector<512xf32> to vector<512x1xf32>
    %eq3A = vector.broadcast %broadcast_in_dim3A : vector<512x1xf32> to vector<512x320xf32>
    %eq3A_11 = arith.cmpf oeq, %slice3A, %eq3A : vector<512x320xf32>
    %jit3A = arith.constant 320 : i32
    %broadcast_in_dim3A_12 = vector.broadcast %jit3A : i32 to vector<512x320xi32>
    %select_n3A = arith.select %eq3A_11, %iota3A, %broadcast_in_dim3A_12 : vector<512x320xi1>, vector<512x320xi32>
    %reduce_min3A = arith.constant dense<2147483647> : vector<512xi32>
    %reduce_min3A_13 = vector.multi_reduction <minsi>, %select_n3A, %reduce_min3A [1] : vector<512x320xi32> to vector<512xi32>
    %broadcast_in_dim3A_14 = vector.shape_cast %reduce_min3A_13 : vector<512xi32> to vector<512x1xi32>
    %eq3A_15 = vector.broadcast %broadcast_in_dim3A_14 : vector<512x1xi32> to vector<512x320xi32>
    %eq3A_16 = arith.cmpi eq, %iota3A, %eq3A_15 : vector<512x320xi32>
    %convert_element_type3A = arith.extui %eq3A_16 : vector<512x320xi1> to vector<512x320xi32>
    %convert_element_type3A_17 = arith.sitofp %convert_element_type3A : vector<512x320xi32> to vector<512x320xf32>
    %add3A_18 = arith.constant 0 : i32
    %add3A_19 = vector.broadcast %add3A_18 : i32 to vector<512x1xi32>
    %add3A_20 = arith.addi %broadcast_in_dim3A_14, %add3A_19 : vector<512x1xi32>
    %reduce_sum3A = arith.constant dense<0.000000e+00> : vector<320xf32>
    %reduce_sum3A_21 = vector.multi_reduction <add>, %convert_element_type3A_17, %reduce_sum3A [0] : vector<512x320xf32> to vector<320xf32>
    %broadcast_in_dim3A_22 = vector.shape_cast %reduce_sum3A_21 : vector<320xf32> to vector<1x320xf32>
    %slice3A_23 = vector.extract_strided_slice %add3A_9 {offsets = [0, 320], sizes = [512, 320], strides = [1, 1]} : vector<512x640xf32> to vector<512x320xf32>
    %reduce_max3A_24 = arith.constant dense<0xFF800000> : vector<512xf32>
    %reduce_max3A_25 = vector.multi_reduction <maximumf>, %slice3A_23, %reduce_max3A_24 [1] : vector<512x320xf32> to vector<512xf32>
    %broadcast_in_dim3A_26 = vector.shape_cast %reduce_max3A_25 : vector<512xf32> to vector<512x1xf32>
    %eq3A_27 = vector.broadcast %broadcast_in_dim3A_26 : vector<512x1xf32> to vector<512x320xf32>
    %eq3A_28 = arith.cmpf oeq, %slice3A_23, %eq3A_27 : vector<512x320xf32>
    %jit3A_29 = arith.constant 320 : i32
    %broadcast_in_dim3A_30 = vector.broadcast %jit3A_29 : i32 to vector<512x320xi32>
    %select_n3A_31 = arith.select %eq3A_28, %iota3A, %broadcast_in_dim3A_30 : vector<512x320xi1>, vector<512x320xi32>
    %reduce_min3A_32 = arith.constant dense<2147483647> : vector<512xi32>
    %reduce_min3A_33 = vector.multi_reduction <minsi>, %select_n3A_31, %reduce_min3A_32 [1] : vector<512x320xi32> to vector<512xi32>
    %broadcast_in_dim3A_34 = vector.shape_cast %reduce_min3A_33 : vector<512xi32> to vector<512x1xi32>
    %eq3A_35 = vector.broadcast %broadcast_in_dim3A_34 : vector<512x1xi32> to vector<512x320xi32>
    %eq3A_36 = arith.cmpi eq, %iota3A, %eq3A_35 : vector<512x320xi32>
    %convert_element_type3A_37 = arith.extui %eq3A_36 : vector<512x320xi1> to vector<512x320xi32>
    %convert_element_type3A_38 = arith.sitofp %convert_element_type3A_37 : vector<512x320xi32> to vector<512x320xf32>
    %add3A_39 = arith.constant 320 : i32
    %add3A_40 = vector.broadcast %add3A_39 : i32 to vector<512x1xi32>
    %add3A_41 = arith.addi %broadcast_in_dim3A_34, %add3A_40 : vector<512x1xi32>
    %reduce_sum3A_42 = arith.constant dense<0.000000e+00> : vector<320xf32>
    %reduce_sum3A_43 = vector.multi_reduction <add>, %convert_element_type3A_38, %reduce_sum3A_42 [0] : vector<512x320xf32> to vector<320xf32>
    %broadcast_in_dim3A_44 = vector.shape_cast %reduce_sum3A_43 : vector<320xf32> to vector<1x320xf32>
    %concatenate3A = tpu.concatenate %add3A_20, %add3A_41 in 1 : vector<512x1xi32>, vector<512x1xi32> -> vector<512x2xi32>
    %swap3A = arith.constant 0 : index
    %swap3A_45 = arith.constant 0 : index
    %swap3A_46 = vector.load %arg4[%swap3A, %swap3A_45] : memref<512x2xi32, #tpu.memory_space<vmem>>, vector<512x2xi32>
    tpu.vector_store %arg4[%swap3A, %swap3A_45], %concatenate3A {strides = array<i32>} : memref<512x2xi32, #tpu.memory_space<vmem>>, vector<512x2xi32>,
    %eq3A_47 = arith.constant 0 : i32
    %eq3A_48 = arith.cmpi eq, %arg0, %eq3A_47 : i32
    %convert_element_type3A_49 = arith.extui %eq3A_48 : i1 to i32
    %cond3A = arith.constant 0 : i32
    %cond3A_50 = arith.cmpi ne, %convert_element_type3A_49, %cond3A : i32
    scf.if %cond3A_50 {
      %broadcast_in_dim3A_64 = arith.constant 0.000000e+00 : f32
      %broadcast_in_dim3A_65 = vector.broadcast %broadcast_in_dim3A_64 : f32 to vector<2x320xf32>
      %swap3A_66 = arith.constant 0 : index
      %swap3A_67 = arith.constant 0 : index
      %swap3A_68 = vector.load %arg6[%swap3A_66, %swap3A_67] : memref<2x320xf32, #tpu.memory_space<vmem>>, vector<2x320xf32>
      tpu.vector_store %arg6[%swap3A_66, %swap3A_67], %broadcast_in_dim3A_65 {strides = array<i32>} : memref<2x320xf32, #tpu.memory_space<vmem>>, vector<2x320xf32>,
    } else {
    }
    %get3A_51 = arith.constant 0 : index
    %get3A_52 = arith.constant 0 : index
    %get3A_53 = vector.load %arg6[%get3A_51, %get3A_52] : memref<2x320xf32, #tpu.memory_space<vmem>>, vector<2x320xf32>
    %concatenate3A_54 = tpu.concatenate %broadcast_in_dim3A_22, %broadcast_in_dim3A_44 in 0 : vector<1x320xf32>, vector<1x320xf32> -> vector<2x320xf32>
    %add3A_55 = arith.addf %get3A_53, %concatenate3A_54 : vector<2x320xf32>
    %swap3A_56 = arith.constant 0 : index
    %swap3A_57 = arith.constant 0 : index
    %swap3A_58 = vector.load %arg6[%swap3A_56, %swap3A_57] : memref<2x320xf32, #tpu.memory_space<vmem>>, vector<2x320xf32>
    tpu.vector_store %arg6[%swap3A_56, %swap3A_57], %add3A_55 {strides = array<i32>} : memref<2x320xf32, #tpu.memory_space<vmem>>, vector<2x320xf32>,
    %eq3A_59 = arith.constant 15 : i32
    %eq3A_60 = arith.cmpi eq, %arg0, %eq3A_59 : i32
    %convert_element_type3A_61 = arith.extui %eq3A_60 : i1 to i32
    %cond3A_62 = arith.constant 0 : i32
    %cond3A_63 = arith.cmpi ne, %convert_element_type3A_61, %cond3A_62 : i32
    scf.if %cond3A_63 {
      %get3A_64 = arith.constant 0 : index
      %get3A_65 = arith.constant 0 : index
      %get3A_66 = vector.load %arg6[%get3A_64, %get3A_65] : memref<2x320xf32, #tpu.memory_space<vmem>>, vector<2x320xf32>
      %div3A = arith.constant 8.192000e+03 : f32
      %div3A_67 = vector.broadcast %div3A : f32 to vector<2x320xf32>
      %div3A_68 = arith.divf %get3A_66, %div3A_67 : vector<2x320xf32>
      %add3A_69 = arith.constant 1.000000e-07 : f32
      %add3A_70 = vector.broadcast %add3A_69 : f32 to vector<2x320xf32>
      %add3A_71 = arith.addf %div3A_68, %add3A_70 : vector<2x320xf32>
      %log3A = math.log %add3A_71 : vector<2x320xf32>
      %mul3A = arith.mulf %div3A_68, %log3A : vector<2x320xf32>
      %reduce_sum3A_72 = arith.constant dense<0.000000e+00> : vector<2xf32>
      %reduce_sum3A_73 = vector.multi_reduction <add>, %mul3A, %reduce_sum3A_72 [1] : vector<2x320xf32> to vector<2xf32>
      %broadcast_in_dim3A_74 = vector.shape_cast %reduce_sum3A_73 : vector<2xf32> to vector<2x1xf32>
      %neg3A = arith.constant 0.000000e+00 : f32
      %neg3A_75 = vector.broadcast %neg3A : f32 to vector<2x1xf32>
      %neg3A_76 = arith.subf %neg3A_75, %broadcast_in_dim3A_74 : vector<2x1xf32>
      %exp3A = math.exp %neg3A_76 : vector<2x1xf32>
      %reduce_sum3A_77 = vector.shape_cast %exp3A : vector<2x1xf32> to vector<1x2x1xf32>
      %reduce_sum3A_78 = arith.constant dense<0.000000e+00> : vector<1xf32>
      %reduce_sum3A_79 = vector.multi_reduction <add>, %reduce_sum3A_77, %reduce_sum3A_78 [1, 2] : vector<1x2x1xf32> to vector<1xf32>
      %reduce_sum3A_80 = vector.shape_cast %reduce_sum3A_79 : vector<1xf32> to vector<1x1x1xf32>
      %reduce_sum3A_81 = vector.extract %reduce_sum3A_80[0, 0, 0] : f32 from vector<1x1x1xf32>
      %broadcast_in_dim3A_82 = vector.broadcast %reduce_sum3A_81 : f32 to vector<1x1xf32>
      %swap3A_83 = arith.constant 0 : index
      %swap3A_84 = arith.constant 0 : index
      %swap3A_85 = vector.load %arg5[%swap3A_83, %swap3A_84] : memref<1x1xf32, #tpu.memory_space<vmem>>, vector<1x1xf32>
      tpu.vector_store %arg5[%swap3A_83, %swap3A_84], %broadcast_in_dim3A_82 {strides = array<i32>} : memref<1x1xf32, #tpu.memory_space<vmem>>, vector<1x1xf32>,
    } else {
    }
    return
  }
  func.func @transform_0(%arg0: i32) -> (i32, i32) {
    %c0_i32 = arith.constant 0 : i32
    %c0_i32_0 = arith.constant 0 : i32
    return %arg0, %c0_i32 : i32, i32
  }
  func.func @transform_1(%arg0: i32) -> (i32, i32) {
    %c0_i32 = arith.constant 0 : i32
    %c0_i32_0 = arith.constant 0 : i32
    %c0_i32_1 = arith.constant 0 : i32
    return %c0_i32, %c0_i32_0 : i32, i32
  }
  func.func @transform_2(%arg0: i32) -> (i32, i32) {
    %c0_i32 = arith.constant 0 : i32
    %c0_i32_0 = arith.constant 0 : i32
    %c0_i32_1 = arith.constant 0 : i32
    return %c0_i32, %c0_i32_0 : i32, i32
  }
  func.func @transform_3(%arg0: i32) -> (i32, i32) {
    %c0_i32 = arith.constant 0 : i32
    %c0_i32_0 = arith.constant 0 : i32
    return %arg0, %c0_i32 : i32, i32
  }
  func.func @transform_4(%arg0: i32) -> (i32, i32) {
    %c0_i32 = arith.constant 0 : i32
    %c0_i32_0 = arith.constant 0 : i32
    %c0_i32_1 = arith.constant 0 : i32
    return %c0_i32, %c0_i32_0 : i32, i32
  }
}

</mosaic_0001>

<sc_bundles>
// kernel: kernel.4.cloned.1.call-start
scs
__scs_entry_jumppad:
0x0: {  	(pc) =	sbr.rel $0x88, $3  }
0x1: {  	(tag) =	ssettag $0x0;
	lr =	simm.s32 $0x1  }
0x2: {  	[smem:$0x3F9D] =	sst lr;
	_ =	strace $0xD0000000  }
0x3: {  	_ = 	snop  }
0x4: {  	_ = 	snop  }
0x5: {  	_ = 	snop  }
0x6: {  	_ = 	snop  }
0x7: {  	_ = 	snop  }
__scs_overlays_trampoline_lowered:
0x8: {  	[smem:$0x3FAC] =	sst s0  }
0x9: {  	[smem:$0x3FAD] =	sst s1  }
0xa: {  	[smem:$0x3FAE] =	sst s2  }
0xb: {  	[smem:$0x3FAF] =	sst s3  }
0xc: {  	[smem:$0x3FB0] =	sst s4  }
0xd: {  	[smem:$0x3FB1] =	sst s5  }
0xe: {  	[smem:$0x3FB2] =	sst s6  }
0xf: {  	[smem:$0x3FB3] =	sst s7  }
0x10: {  	[smem:$0x3FB4] =	sst s8  }
0x11: {  	[smem:$0x3FB5] =	sst s9;
	s0 =	simm.s32 @!p0 $0x0  }
0x12: {  	s1 =	sld [smem:$0x3F9B];
	s0 =	simm.s32 @p0 $0x1  }
0x13: {  	[smem:$0x3FB6] =	sst s0;
	s0 =	simm.s32 @!p1 $0x0  }
0x14: {  	s2 =	sld [smem:$0x3F9A];
	s0 =	simm.s32 @p1 $0x1  }
0x15: {  	[smem:$0x3FB7] =	sst s0;
	s0 =	simm.s32 @!p2 $0x0  }
0x16: {  	s3 =	sld [smem:$0x3FDB];
	s0 =	simm.s32 @p2 $0x1  }
0x17: {  	s4 =	simm.s32 $0x1BF5;
	[smem:$0x3FB9] =	sst s0  }
0x18: {  	s0 =	sld [smem:$0x3F9C];
	_ =	swait.ge [sflag:s4], $0x0  }
0x19: {  	s7 =	sld [smem:$0x3F9D]  }
0x1a: {  	s8 =	sadd.s32 $0xFFFFE003, lr  }
0x1b: {  	s9 =	sadd.s32 $0xFFFFFEF7, lr;
	s5 =	simm.s32 $0xFFFFFFFF;
	p2 =	slt.u32 s8, $0xFFFFF086  }
0x1c: {  	p1 =	slt.u32 s9, $0xF7A;
	s5 =	simm.s32 @!p2 $0x0  }
0x1d: {  	s5 =	simm.s32 @p1 $0x1;
	p0 =	seq.s32 s7, s2  }
0x1e: {  	s7 =	smul.u32 @!p0 $0xF7A, s2;
	p2 =	seq.s32 @!p0 s5, $0x0  }
0x1f: {  	s9 =	smul.u32 $0xF7A, s1;
	s8 =	simm.s32 @!p0 $0x1BF5;
	p2 =	por !p2, p0  }
0x20: {  	[sflag:s8] =	ssyncset.s32 @!p0 $0xFFFFF086;
	s6 =	sadd.s32 @!p0 s3, s7;
	s7 =	simm.s32 @!p0 $0x108  }
0x21: {  	s3 =	sadd.s32 s3, s9;
	s6 =	sadd.s32 @!p0 $0x88, s6;
	s7 =	simm.s32 @p2 $0x1082  }
0x22: {  	[simem:s7], [sflag:s8] =	dma.local @!p0 [hbm:s6], $0xF7A  }
0x23: {  	s9 =	sor.u32 $0xD0000000, s2;
	s6 =	simm.s32 $0x108;
	_ =	swait.ge @!p0 [sflag:s8], $0x0  }
0x24: {  	s3 =	sadd.s32 $0x88, s3;
	s6 =	simm.s32 @!p1 $0x1082;
	[sflag:s4] =	ssyncset.s32 $0xFFFFF086  }
0x25: {  	[simem:s6], [sflag:s4] =	dma.local [hbm:s3], $0xF7A  }
0x26: {  	[smem:$0x3F9D] =	sst s1;
	(tag) =	ssettag s2;
	_ =	strace s9  }
0x27: {  	s1 =	sld [smem:$0x3FAD]  }
0x28: {  	s2 =	sld [smem:$0x3FAE]  }
0x29: {  	s4 =	sld [smem:$0x3FB0]  }
0x2a: {  	p0 =	seq.s32 s5, $0x0;
	s5 =	sld [smem:$0x3FB1]  }
0x2b: {  	s6 =	sld [smem:$0x3FB2]  }
0x2c: {  	s7 =	sld [smem:$0x3FB3]  }
0x2d: {  	s3 =	simm.s32 $0x108;
	s8 =	sld [smem:$0x3FB4]  }
0x2e: {  	s3 =	simm.s32 @!p0 $0x1082;
	s9 =	sld [smem:$0x3FB5]  }
0x2f: {  	lr =	sadd.s32 s0, s3;
	s0 =	sld [smem:$0x3FAC]  }
0x30: {  	s3 =	sld [smem:$0x3FAF]  }
0x31: {  	[smem:$0x3FB8] =	sst s10  }
0x32: {  	s10 =	sld [smem:$0x3FB6];
	_ =	sdelay $0x3  }
0x33: {  	p0 =	seq.s32 s10, $0x1;
	s10 =	sld [smem:$0x3FB8];
	_ =	sdelay $0x3  }
0x34: {  	[smem:$0x3FB8] =	sst s10  }
0x35: {  	s10 =	sld [smem:$0x3FB7];
	_ =	sdelay $0x3  }
0x36: {  	p1 =	seq.s32 s10, $0x1;
	s10 =	sld [smem:$0x3FB8];
	_ =	sdelay $0x3  }
0x37: {  	[smem:$0x3FB8] =	sst s10  }
0x38: {  	s10 =	sld [smem:$0x3FB9]  }
0x39: {  	_ = 	snop;
	(pc) =	sbr.ind lr, $3  }
0x3a: {  	_ = 	snop  }
0x3b: {  	_ = 	snop  }
0x3c: {  	p2 =	seq.s32 s10, $0x1;
	s10 =	sld [smem:$0x3FB8]  }
0x3d: {  	_ =	shalt  }
0x3e: {  	_ =	shalt  }
0x3f: {  	_ =	shalt  }
0x40: {  	_ =	shalt  }
0x41: {  	_ =	shalt  }
0x42: {  	_ =	shalt  }
0x43: {  	_ =	shalt  }
0x44: {  	_ =	shalt  }
0x45: {  	_ =	shalt  }
0x46: {  	_ =	shalt  }
0x47: {  	_ =	shalt  }
0x48: {  	_ =	shalt  }
0x49: {  	_ =	shalt  }
0x4a: {  	_ =	shalt  }
0x4b: {  	_ =	shalt  }
0x4c: {  	_ =	shalt  }
0x4d: {  	_ =	shalt  }
0x4e: {  	_ =	shalt  }
0x4f: {  	_ =	shalt  }
0x50: {  	_ =	shalt  }
0x51: {  	_ =	shalt  }
0x52: {  	_ =	shalt  }
0x53: {  	_ =	shalt  }
0x54: {  	_ =	shalt  }
0x55: {  	_ =	shalt  }
0x56: {  	_ =	shalt  }
0x57: {  	_ =	shalt  }
0x58: {  	_ =	shalt  }
0x59: {  	_ =	shalt  }
0x5a: {  	_ =	shalt  }
0x5b: {  	_ =	shalt  }
0x5c: {  	_ =	shalt  }
0x5d: {  	_ =	shalt  }
0x5e: {  	_ =	shalt  }
0x5f: {  	_ =	shalt  }
0x60: {  	_ =	shalt  }
0x61: {  	_ =	shalt  }
0x62: {  	_ =	shalt  }
0x63: {  	_ =	shalt  }
0x64: {  	_ =	shalt  }
0x65: {  	_ =	shalt  }
0x66: {  	_ =	shalt  }
0x67: {  	_ =	shalt  }
0x68: {  	_ =	shalt  }
0x69: {  	_ =	shalt  }
0x6a: {  	_ =	shalt  }
0x6b: {  	_ =	shalt  }
0x6c: {  	_ =	shalt  }
0x6d: {  	_ =	shalt  }
0x6e: {  	_ =	shalt  }
0x6f: {  	_ =	shalt  }
0x70: {  	_ =	shalt  }
0x71: {  	_ =	shalt  }
0x72: {  	_ =	shalt  }
0x73: {  	_ =	shalt  }
0x74: {  	_ =	shalt  }
0x75: {  	_ =	shalt  }
0x76: {  	_ =	shalt  }
0x77: {  	_ =	shalt  }
0x78: {  	_ =	shalt  }
0x79: {  	_ =	shalt  }
0x7a: {  	_ =	shalt  }
0x7b: {  	_ =	shalt  }
0x7c: {  	_ =	shalt  }
0x7d: {  	_ =	shalt  }
0x7e: {  	_ =	shalt  }
0x7f: {  	_ =	shalt  }
0x80: {  	_ =	shalt  }
0x81: {  	_ =	shalt  }
0x82: {  	_ =	shalt  }
0x83: {  	_ =	shalt  }
0x84: {  	_ =	shalt  }
0x85: {  	_ =	shalt  }
0x86: {  	_ =	shalt  }
0x87: {  	_ =	shalt  }
.Lfunc_end0:
.L_simem_size_0:
called_computation_lowered:
.L_overlay_start_0:
0x88: {  	s2 =	sld [smem:$0x3FD9]  }
0x89: {  	s3 =	sld [smem:$0x3FFE];
	_ =	sdelay $0x1  }
0x8a: {  	s1 =	srdreg.scid  }
0x8b: {  	s0 =	sand.u32 $0x1, s1  }
0x8c: {  	s14 =	sshll.u32 s0, $0xA;
	s2 =	sadd.s32 s3, s2  }
0x8d: {  	s2 =	sadd.s32 s2, s14  }
0x8e: {  	[smem:$0x3FC4] =	sst s2  }
0x8f: {  	_ = 	snop  }
0x90: {  	s2 =	sld [smem:$0x3FD0];
	_ =	sdelay $0x2  }
0x91: {  	s4 =	simm.s32 $0xA;
	s5 =	simm.s32 $0x10;
	s15 =	sld [smem:$0x3FC6]  }
0x92: {  	[smem:s5], [sflag:s4] =	dma.local [hbm:s2], $0x1  }
0x93: {  	_ =	swait.eq [sflag:s4], $0x1  }
0x94: {  	[sflag:s4] =	ssyncset.done $0x0  }
0x95: {  	[sflag:s4] =	ssyncadd.s32 $0xFFFFFFFF  }
0x96: {  	s16 =	sld [smem:$0x10];
	(tm) =	ssettm $0x1  }
0x97: {  	s17 =	sld [smem:$0x3FFB];
	_ =	sdelay $0x3  }
0x98: {  	_ =	strace s17  }
0x99: {  	s4 =	sld [smem:$0x3FFC];
	_ =	sdelay $0x3  }
0x9a: {  	_ =	strace s4  }
0x9b: {  	s4 =	sld [smem:$0x3FFD];
	_ =	sdelay $0x3  }
0x9c: {  	_ =	strace s4  }
0x9d: {  	_ =	strace $0x8FFFFFFF  }
0x9e: {  	s18 =	sld [smem:$0x3FDB];
	_ =	sdelay $0x1  }
0x9f: {  	s19 =	simm.s32 $_scs_section_size  }
0xa0: {  	s6 =	simm.s32 $_size__tile_overlayer_lowered;
	s7 =	simm.s32 $_tile_overlayer_lowered  }
0xa1: {  	s22 =	simm.s32 $0x1BFF;
	s21 =	sshll.u32 s7, $0x1;
	s4 =	sadd.s32 s19, s18  }
0xa2: {  	s8 =	simm.s32 $0x0;
	s20 =	sshll.u32 s6, $0x1;
	s6 =	sadd.s32 s21, s4  }
0xa3: {  	[timem:s8], [sflag:s22] =	dma.local [hbm:s6], s20  }
0xa4: {  	_ =	swait.ge [sflag:s22], s20  }
0xa5: {  	s5 =	ssub.s32 $0x0, s20;
	[sflag:s22] =	ssyncset.done $0x0  }
0xa6: {  	[sflag:s22] =	ssyncadd.s32 s5;
	_ =	sdelay $0x1  }
0xa7: {  	s23 =	simm.s32 $0x1B8B  }
0xa8: {  	_ =	swait.ge [sflag:s23], $0x1  }
0xa9: {  	[sflag:s23] =	ssyncset.done $0x0  }
0xaa: {  	s25 =	simm.s32 $0x1B8E;
	s24 =	sld [smem:$0x3FFE];
	[sflag:s23] =	ssyncadd.s32 $0xFFFFFFFF  }
0xab: {  	s26 =	simm.s32 $execute0_lowered;
	[smem:$0x3FD2] =	sst s25  }
0xac: {  	s6 =	sshll.u32 s26, $0x1;
	_ =	strace $0x80000046;
	[dreg:$0x1] =	wrdreg $0xFFFFFFFF  }
0xad: {  	s28 =	simm.s32 $_size_execute0_lowered;
	s4 =	sadd.s32 s4, s6;
	[dreg:$0x0] =	wrdreg $0x0  }
0xae: {  	s6 =	sshll.u32 s28, $0x1;
	[dreg:$0x2] =	wrdreg s4  }
0xaf: {  	[dreg:$0x3] =	wrdreg s6  }
0xb0: {  	[dreg:$0x4] =	wrdreg $0xC0  }
0xb1: {  	_ =	task [dreg:s8], $0x5FFFF  }
0xb2: {  	[dreg:$0x1] =	wrdreg $0xFFFFFFFF  }
0xb3: {  	[dreg:$0x0] =	wrdreg $0x60  }
0xb4: {  	[dreg:$0x2] =	wrdreg s16  }
0xb5: {  	[dreg:$0x3] =	wrdreg s15  }
0xb6: {  	[dreg:$0x4] =	wrdreg s24  }
0xb7: {  	[dreg:$0x5] =	wrdreg $0x9  }
0xb8: {  	_ =	task.clear_ibuf [dreg:s8], $0x6FFFF;
	_ =	strace $0x90000046  }
0xb9: {  	s29 =	simm.s32 $0x9;
	_ =	strace $0x80000048  }
0xba: {  	_ =	swait.ge [sflag:s29], $0x1  }
0xbb: {  	[sflag:s29] =	ssyncadd.s32 $0xFFFFFFFF  }
0xbc: {  	_ =	strace $0x90000048  }
0xbd: {  	_ =	sfence  }
0xbe: {  	s30 =	sld [smem:$0x0];
	_ =	sdelay $0x2  }
0xbf: {  	s31 =	sshll.u32 s1, $0xD;
	s1 =	sshrl.u32 s1, $0x2  }
0xc0: {  	s3 =	sand.u32 $0x4000, s31;
	s1 =	sadd.s32 s1, s30  }
0xc1: {  	s0 =	sor.u32 s3, s0;
	s1 =	sshll.u32 s1, $0x11  }
0xc2: {  	s0 =	sor.u32 s1, s0  }
0xc3: {  	s0 =	sadd.s32 $0x8F2B, s0  }
0xc4: {  	[sflag:s0] =	ssyncadd.remote.s32 $0x1  }
0xc5: {  	_ =	sfence.sel $0xFFFF  }
0xc6: {  	[dreg:$0x0] =	wrdreg $0xFFFFFFFF;
	(pc) =	sbr.abs _section_cstart, $3  }
0xc7: {  	[dreg:$0x1] =	wrdreg $0xFFFFFFFF  }
0xc8: {  	_ =	task.clear_ibuf [dreg:s8], $0x2FFFF;
	_ =	strace $0x9FFFFFFF  }
0xc9: {  	(tm) =	ssettm $0x7FFFFFFF  }
tec
execute0_lowered:
.L_overlay_start_1:
0x0: {  	(tag) =	ssettag $0x1  }
0x1: {  	s0 =	rddreg [dreg:$0x0]  }
0x2: {  	s1 =	srdreg.scid;
	s2 =	rddreg [dreg:$0x1]  }
0x3: {  	s3 =	stileid.u32;
	s4 =	rddreg [dreg:$0x2]  }
0x4: {  	s13 =	simm.s32 $0x2;
	s15 =	simm.s32 $0xA00;
	s16 =	simm.s32 $0x1200  }
0x5: {  	s17 =	simm.s32 $0x1A00;
	s18 =	simm.s32 $0x2200;
	s19 =	simm.s32 $0x2A00  }
0x6: {  	s20 =	simm.s32 $0x3200;
	s21 =	simm.s32 $0x3A00;
	s28 =	simm.s32 $0x6200  }
0x7: {  	s29 =	simm.s32 $0x6A00;
	s30 =	simm.s32 $0x7200;
	s31 =	simm.s32 $0x7A00  }
0x8: {  	s7 =	simm.s32 $0x9A00;
	s8 =	simm.s32 $0xA200;
	s9 =	simm.s32 $0xAA00  }
0x9: {  	s10 =	simm.s32 $0xB200;
	s11 =	simm.s32 $0xBA00;
	s1 =	sand.u32 $0x1, s1  }
0xa: {  	s5 =	sshll.u32 s3, $0xA;
	s3 =	simm.s32 $0x0;
	s6 =	sshll.u32 s1, $0x9  }
0xb: {  	[smem:$0x7FF] =	sst s3;
	s1 =	ssub.s32 $0x2, s1;
	s5 =	sor.u32 s6, s5  }
0xc: {  	_ =	strace $0x80000047;
	s6 =	sshll.u32 s5, $0x5;
	s5 =	sshrl.u32 s5, $0x3  }
0xd: {  	s25 =	sshrl.u32 s1, $0x1;
	s4 =	sadd.s32 s6, s4;
	s0 =	sadd.s32 s0, s5  }
0xe: {  	s1 =	ssub.s32 s1, s25;
	[dreg:$0x4] =	wrdreg s0;
	s22 =	sadd.s32 $0x800, s4  }
0xf: {  	s25 =	simm.s32 $0x5200;
	s23 =	sadd.s32 $0x1800, s4;
	[dreg:$0x5] =	wrdreg s22  }
0x10: {  	s5 =	simm.s32 $0x3;
	s24 =	sadd.s32 $0x2800, s4;
	[dreg:$0x6] =	wrdreg s23  }
0x11: {  	v2 =	vlaneseq.u32;
	s26 =	sadd.s32 $0x3800, s4;
	s4 =	smax.u32 s1, $0x1;
	[dreg:$0x7] =	wrdreg s24  }
0x12: {  	vm0 =	vmmov $0xffff;
	v1 =	vshrl.u32 v2, $0x3;
	s1 =	simm.s32 $0x1;
	[dreg:$0x8] =	wrdreg s26;
	s23 =	simm.s32 $0x4200  }
0x13: {  	v0 =	vand.u32 $0x7, v2;
	v2 =	vor.u32 $0x8, v2;
	v1 =	vmul.u32 $0x8, v1;
	s24 =	simm.s32 $0x4A00;
	s26 =	simm.s32 $0x5A00;
	s22 =	simm.s32 $0x9200  }
.LBB2_1:
0x14: {  	s14 =	rddreg [dreg:$0x4]  }
0x15: {  	[tilespmem:s3], [sflag:$0x3] =	stream.linear.gather [hbm4b:s14+s3], $0x200, $0x38;
	[tilespmem:$0x10200] =	vst v63  }
0x16: {  	_ =	swait.ge [sflag:s5], $0x200  }
0x17: {  	[sflag:s5] =	ssyncset.done $0x0  }
0x18: {  	[sflag:s5] =	ssyncadd.s32 $0xFFFFFE00  }
0x19: {  	v3 =	vld [tilespmem:$0x0];
	_ =	sdelay $0x4  }
0x1a: {  	v4 =	vshll.u32 v3, $0x1  }
0x1b: {  	v3 =	vand.u32 $0x7, v3;
	v4 =	vand.u32 $0xFFFFFFF0, v4  }
0x1c: {  	v3 =	vor.u32 v3, v4  }
0x1d: {  	v4 =	vperm.xlane v3, v0;
	_ =	sdelay $0x1  }
0x1e: {  	v3 =	vperm.xlane v3, v2;
	v4 =	vadd.s32 v1, v4;
	_ =	sdelay $0x1  }
0x1f: {  	v3 =	vadd.s32 v1, v3;
	_ =	sdelay $0x1  }
0x20: {  	s0 =	simm.s32 $0x200  }
0x21: {  	[tilespmem:s0], [sflag:$0x1] =	stream.indirect_vreg.gather [hbm4b:s2+s3], $0x80, v4, vm0, $0xb8;
	[tilespmem:$0x10200] =	vst v63  }
0x22: {  	_ = 	snop  }
0x23: {  	[tilespmem:s15], [sflag:$0x1] =	stream.indirect_vreg.gather [hbm4b:s2+s3], $0x80, v3, vm0, $0xb8;
	[tilespmem:$0x10200] =	vst v63  }
0x24: {  	v3 =	vld [tilespmem:$0x10];
	_ =	sdelay $0x4  }
0x25: {  	v33 =	vshll.u32 v3, $0x1  }
0x26: {  	v3 =	vand.u32 $0x7, v3;
	v4 =	vand.u32 $0xFFFFFFF0, v33  }
0x27: {  	v3 =	vor.u32 v3, v4  }
0x28: {  	v4 =	vperm.xlane v3, v0;
	_ =	sdelay $0x1  }
0x29: {  	v3 =	vperm.xlane v3, v2;
	v4 =	vadd.s32 v1, v4;
	_ =	sdelay $0x1  }
0x2a: {  	v3 =	vadd.s32 v1, v3;
	_ =	sdelay $0x2  }
0x2b: {  	[tilespmem:s16], [sflag:$0x1] =	stream.indirect_vreg.gather [hbm4b:s2+s3], $0x80, v4, vm0, $0xb8;
	[tilespmem:$0x10200] =	vst v63  }
0x2c: {  	_ = 	snop  }
0x2d: {  	[tilespmem:s17], [sflag:$0x1] =	stream.indirect_vreg.gather [hbm4b:s2+s3], $0x80, v3, vm0, $0xb8;
	[tilespmem:$0x10200] =	vst v63  }
0x2e: {  	v3 =	vld [tilespmem:$0x20];
	_ =	sdelay $0x4  }
0x2f: {  	v34 =	vshll.u32 v3, $0x1  }
0x30: {  	v3 =	vand.u32 $0x7, v3;
	v4 =	vand.u32 $0xFFFFFFF0, v34  }
0x31: {  	v3 =	vor.u32 v3, v4  }
0x32: {  	v4 =	vperm.xlane v3, v0;
	_ =	sdelay $0x1  }
0x33: {  	v3 =	vperm.xlane v3, v2;
	v4 =	vadd.s32 v1, v4;
	_ =	sdelay $0x1  }
0x34: {  	v3 =	vadd.s32 v1, v3;
	_ =	sdelay $0x2  }
0x35: {  	[tilespmem:s18], [sflag:$0x1] =	stream.indirect_vreg.gather [hbm4b:s2+s3], $0x80, v4, vm0, $0xb8;
	[tilespmem:$0x10200] =	vst v63  }
0x36: {  	_ = 	snop  }
0x37: {  	[tilespmem:s19], [sflag:$0x1] =	stream.indirect_vreg.gather [hbm4b:s2+s3], $0x80, v3, vm0, $0xb8;
	[tilespmem:$0x10200] =	vst v63  }
0x38: {  	v3 =	vld [tilespmem:$0x30];
	_ =	sdelay $0x4  }
0x39: {  	v35 =	vshll.u32 v3, $0x1  }
0x3a: {  	v3 =	vand.u32 $0x7, v3;
	v4 =	vand.u32 $0xFFFFFFF0, v35  }
0x3b: {  	v3 =	vor.u32 v3, v4  }
0x3c: {  	v4 =	vperm.xlane v3, v0;
	_ =	sdelay $0x1  }
0x3d: {  	v3 =	vperm.xlane v3, v2;
	v4 =	vadd.s32 v1, v4;
	_ =	sdelay $0x1  }
0x3e: {  	v3 =	vadd.s32 v1, v3;
	_ =	sdelay $0x2  }
0x3f: {  	[tilespmem:s20], [sflag:$0x1] =	stream.indirect_vreg.gather [hbm4b:s2+s3], $0x80, v4, vm0, $0xb8;
	[tilespmem:$0x10200] =	vst v63  }
0x40: {  	_ = 	snop  }
0x41: {  	[tilespmem:s21], [sflag:$0x1] =	stream.indirect_vreg.gather [hbm4b:s2+s3], $0x80, v3, vm0, $0xb8;
	[tilespmem:$0x10200] =	vst v63  }
0x42: {  	v3 =	vld [tilespmem:$0x40];
	_ =	sdelay $0x4  }
0x43: {  	v36 =	vshll.u32 v3, $0x1  }
0x44: {  	v3 =	vand.u32 $0x7, v3;
	v4 =	vand.u32 $0xFFFFFFF0, v36  }
0x45: {  	v3 =	vor.u32 v3, v4  }
0x46: {  	v4 =	vperm.xlane v3, v0;
	_ =	sdelay $0x1  }
0x47: {  	v3 =	vperm.xlane v3, v2;
	v4 =	vadd.s32 v1, v4;
	_ =	sdelay $0x1  }
0x48: {  	v3 =	vadd.s32 v1, v3;
	_ =	sdelay $0x2  }
0x49: {  	[tilespmem:s23], [sflag:$0x1] =	stream.indirect_vreg.gather [hbm4b:s2+s3], $0x80, v4, vm0, $0xb8;
	[tilespmem:$0x10200] =	vst v63  }
0x4a: {  	_ = 	snop  }
0x4b: {  	[tilespmem:s24], [sflag:$0x1] =	stream.indirect_vreg.gather [hbm4b:s2+s3], $0x80, v3, vm0, $0xb8;
	[tilespmem:$0x10200] =	vst v63  }
0x4c: {  	v3 =	vld [tilespmem:$0x50];
	_ =	sdelay $0x4  }
0x4d: {  	v37 =	vshll.u32 v3, $0x1  }
0x4e: {  	v3 =	vand.u32 $0x7, v3;
	v4 =	vand.u32 $0xFFFFFFF0, v37  }
0x4f: {  	v3 =	vor.u32 v3, v4  }
0x50: {  	v4 =	vperm.xlane v3, v0;
	_ =	sdelay $0x1  }
0x51: {  	v3 =	vperm.xlane v3, v2;
	v4 =	vadd.s32 v1, v4;
	_ =	sdelay $0x1  }
0x52: {  	v3 =	vadd.s32 v1, v3;
	_ =	sdelay $0x2  }
0x53: {  	[tilespmem:s25], [sflag:$0x1] =	stream.indirect_vreg.gather [hbm4b:s2+s3], $0x80, v4, vm0, $0xb8;
	[tilespmem:$0x10200] =	vst v63  }
0x54: {  	_ = 	snop  }
0x55: {  	[tilespmem:s26], [sflag:$0x1] =	stream.indirect_vreg.gather [hbm4b:s2+s3], $0x80, v3, vm0, $0xb8;
	[tilespmem:$0x10200] =	vst v63  }
0x56: {  	v3 =	vld [tilespmem:$0x60];
	_ =	sdelay $0x4  }
0x57: {  	v38 =	vshll.u32 v3, $0x1  }
0x58: {  	v3 =	vand.u32 $0x7, v3;
	v4 =	vand.u32 $0xFFFFFFF0, v38  }
0x59: {  	v3 =	vor.u32 v3, v4  }
0x5a: {  	v4 =	vperm.xlane v3, v0;
	_ =	sdelay $0x1  }
0x5b: {  	v3 =	vperm.xlane v3, v2;
	v4 =	vadd.s32 v1, v4;
	_ =	sdelay $0x1  }
0x5c: {  	v3 =	vadd.s32 v1, v3;
	_ =	sdelay $0x2  }
0x5d: {  	[tilespmem:s28], [sflag:$0x1] =	stream.indirect_vreg.gather [hbm4b:s2+s3], $0x80, v4, vm0, $0xb8;
	[tilespmem:$0x10200] =	vst v63  }
0x5e: {  	_ = 	snop  }
0x5f: {  	[tilespmem:s29], [sflag:$0x1] =	stream.indirect_vreg.gather [hbm4b:s2+s3], $0x80, v3, vm0, $0xb8;
	[tilespmem:$0x10200] =	vst v63  }
0x60: {  	v3 =	vld [tilespmem:$0x70];
	_ =	sdelay $0x4  }
0x61: {  	v39 =	vshll.u32 v3, $0x1  }
0x62: {  	v3 =	vand.u32 $0x7, v3;
	v4 =	vand.u32 $0xFFFFFFF0, v39  }
0x63: {  	v3 =	vor.u32 v3, v4  }
0x64: {  	v4 =	vperm.xlane v3, v0;
	_ =	sdelay $0x1  }
0x65: {  	v3 =	vperm.xlane v3, v2;
	v4 =	vadd.s32 v1, v4;
	_ =	sdelay $0x1  }
0x66: {  	v3 =	vadd.s32 v1, v3;
	_ =	sdelay $0x2  }
0x67: {  	[tilespmem:s30], [sflag:$0x1] =	stream.indirect_vreg.gather [hbm4b:s2+s3], $0x80, v4, vm0, $0xb8;
	[tilespmem:$0x10200] =	vst v63  }
0x68: {  	_ = 	snop  }
0x69: {  	[tilespmem:s31], [sflag:$0x1] =	stream.indirect_vreg.gather [hbm4b:s2+s3], $0x80, v3, vm0, $0xb8;
	[tilespmem:$0x10200] =	vst v63  }
0x6a: {  	v3 =	vld [tilespmem:$0x80];
	_ =	sdelay $0x4  }
0x6b: {  	v40 =	vshll.u32 v3, $0x1  }
0x6c: {  	v3 =	vand.u32 $0x7, v3;
	v4 =	vand.u32 $0xFFFFFFF0, v40  }
0x6d: {  	v3 =	vor.u32 v3, v4  }
0x6e: {  	v4 =	vperm.xlane v3, v0;
	_ =	sdelay $0x1  }
0x6f: {  	v3 =	vperm.xlane v3, v2;
	v4 =	vadd.s32 v1, v4;
	_ =	sdelay $0x1  }
0x70: {  	v3 =	vadd.s32 v1, v3;
	_ =	sdelay $0x1  }
0x71: {  	s0 =	simm.s32 $0x8200  }
0x72: {  	[tilespmem:s0], [sflag:$0x2] =	stream.indirect_vreg.gather [hbm4b:s2+s3], $0x80, v4, vm0, $0xb8;
	[tilespmem:$0x10200] =	vst v63  }
0x73: {  	s6 =	simm.s32 $0x8A00  }
0x74: {  	[tilespmem:s6], [sflag:$0x2] =	stream.indirect_vreg.gather [hbm4b:s2+s3], $0x80, v3, vm0, $0xb8;
	[tilespmem:$0x10200] =	vst v63  }
0x75: {  	v3 =	vld [tilespmem:$0x90];
	_ =	sdelay $0x4  }
0x76: {  	v41 =	vshll.u32 v3, $0x1  }
0x77: {  	v3 =	vand.u32 $0x7, v3;
	v4 =	vand.u32 $0xFFFFFFF0, v41  }
0x78: {  	v3 =	vor.u32 v3, v4  }
0x79: {  	v4 =	vperm.xlane v3, v0;
	_ =	sdelay $0x1  }
0x7a: {  	v3 =	vperm.xlane v3, v2;
	v4 =	vadd.s32 v1, v4;
	_ =	sdelay $0x1  }
0x7b: {  	v3 =	vadd.s32 v1, v3;
	_ =	sdelay $0x2  }
0x7c: {  	[tilespmem:s22], [sflag:$0x2] =	stream.indirect_vreg.gather [hbm4b:s2+s3], $0x80, v4, vm0, $0xb8;
	[tilespmem:$0x10200] =	vst v63  }
0x7d: {  	_ = 	snop  }
0x7e: {  	[tilespmem:s7], [sflag:$0x2] =	stream.indirect_vreg.gather [hbm4b:s2+s3], $0x80, v3, vm0, $0xb8;
	[tilespmem:$0x10200] =	vst v63  }
0x7f: {  	v3 =	vld [tilespmem:$0xA0];
	_ =	sdelay $0x4  }
0x80: {  	v42 =	vshll.u32 v3, $0x1  }
0x81: {  	v3 =	vand.u32 $0x7, v3;
	v4 =	vand.u32 $0xFFFFFFF0, v42  }
0x82: {  	v3 =	vor.u32 v3, v4  }
0x83: {  	v4 =	vperm.xlane v3, v0;
	_ =	sdelay $0x1  }
0x84: {  	v3 =	vperm.xlane v3, v2;
	v4 =	vadd.s32 v1, v4;
	_ =	sdelay $0x1  }
0x85: {  	v3 =	vadd.s32 v1, v3;
	_ =	sdelay $0x2  }
0x86: {  	[tilespmem:s8], [sflag:$0x2] =	stream.indirect_vreg.gather [hbm4b:s2+s3], $0x80, v4, vm0, $0xb8;
	[tilespmem:$0x10200] =	vst v63  }
0x87: {  	_ = 	snop  }
0x88: {  	[tilespmem:s9], [sflag:$0x2] =	stream.indirect_vreg.gather [hbm4b:s2+s3], $0x80, v3, vm0, $0xb8;
	[tilespmem:$0x10200] =	vst v63  }
0x89: {  	v3 =	vld [tilespmem:$0xB0];
	_ =	sdelay $0x4  }
0x8a: {  	v43 =	vshll.u32 v3, $0x1  }
0x8b: {  	v3 =	vand.u32 $0x7, v3;
	v4 =	vand.u32 $0xFFFFFFF0, v43  }
0x8c: {  	v3 =	vor.u32 v3, v4  }
0x8d: {  	v4 =	vperm.xlane v3, v0;
	_ =	sdelay $0x1  }
0x8e: {  	v3 =	vperm.xlane v3, v2;
	v4 =	vadd.s32 v1, v4;
	_ =	sdelay $0x1  }
0x8f: {  	v3 =	vadd.s32 v1, v3;
	_ =	sdelay $0x2  }
0x90: {  	[tilespmem:s10], [sflag:$0x2] =	stream.indirect_vreg.gather [hbm4b:s2+s3], $0x80, v4, vm0, $0xb8;
	[tilespmem:$0x10200] =	vst v63  }
0x91: {  	_ = 	snop  }
0x92: {  	[tilespmem:s11], [sflag:$0x2] =	stream.indirect_vreg.gather [hbm4b:s2+s3], $0x80, v3, vm0, $0xb8;
	[tilespmem:$0x10200] =	vst v63  }
0x93: {  	v3 =	vld [tilespmem:$0xC0];
	_ =	sdelay $0x4  }
0x94: {  	v44 =	vshll.u32 v3, $0x1  }
0x95: {  	v3 =	vand.u32 $0x7, v3;
	v4 =	vand.u32 $0xFFFFFFF0, v44  }
0x96: {  	v3 =	vor.u32 v3, v4  }
0x97: {  	v4 =	vperm.xlane v3, v0;
	_ =	sdelay $0x1  }
0x98: {  	v3 =	vperm.xlane v3, v2;
	v4 =	vadd.s32 v1, v4;
	_ =	sdelay $0x1  }
0x99: {  	v3 =	vadd.s32 v1, v3;
	_ =	sdelay $0x1  }
0x9a: {  	s6 =	simm.s32 $0xC200  }
0x9b: {  	[tilespmem:s6], [sflag:$0x2] =	stream.indirect_vreg.gather [hbm4b:s2+s3], $0x80, v4, vm0, $0xb8;
	[tilespmem:$0x10200] =	vst v63  }
0x9c: {  	s12 =	simm.s32 $0xCA00  }
0x9d: {  	[tilespmem:s12], [sflag:$0x2] =	stream.indirect_vreg.gather [hbm4b:s2+s3], $0x80, v3, vm0, $0xb8;
	[tilespmem:$0x10200] =	vst v63  }
0x9e: {  	v3 =	vld [tilespmem:$0xD0];
	_ =	sdelay $0x4  }
0x9f: {  	v45 =	vshll.u32 v3, $0x1  }
0xa0: {  	v3 =	vand.u32 $0x7, v3;
	v4 =	vand.u32 $0xFFFFFFF0, v45  }
0xa1: {  	v3 =	vor.u32 v3, v4  }
0xa2: {  	v4 =	vperm.xlane v3, v0;
	_ =	sdelay $0x1  }
0xa3: {  	v3 =	vperm.xlane v3, v2;
	v4 =	vadd.s32 v1, v4;
	_ =	sdelay $0x1  }
0xa4: {  	v3 =	vadd.s32 v1, v3;
	_ =	sdelay $0x1  }
0xa5: {  	s14 =	simm.s32 $0xD200  }
0xa6: {  	[tilespmem:s14], [sflag:$0x2] =	stream.indirect_vreg.gather [hbm4b:s2+s3], $0x80, v4, vm0, $0xb8;
	[tilespmem:$0x10200] =	vst v63  }
0xa7: {  	s14 =	simm.s32 $0xDA00  }
0xa8: {  	[tilespmem:s14], [sflag:$0x2] =	stream.indirect_vreg.gather [hbm4b:s2+s3], $0x80, v3, vm0, $0xb8;
	[tilespmem:$0x10200] =	vst v63  }
0xa9: {  	v3 =	vld [tilespmem:$0xE0];
	_ =	sdelay $0x4  }
0xaa: {  	v46 =	vshll.u32 v3, $0x1  }
0xab: {  	v3 =	vand.u32 $0x7, v3;
	v4 =	vand.u32 $0xFFFFFFF0, v46  }
0xac: {  	v3 =	vor.u32 v3, v4  }
0xad: {  	v4 =	vperm.xlane v3, v0;
	_ =	sdelay $0x1  }
0xae: {  	v3 =	vperm.xlane v3, v2;
	v4 =	vadd.s32 v1, v4;
	_ =	sdelay $0x1  }
0xaf: {  	v3 =	vadd.s32 v1, v3;
	_ =	sdelay $0x1  }
0xb0: {  	s14 =	simm.s32 $0xE200  }
0xb1: {  	[tilespmem:s14], [sflag:$0x2] =	stream.indirect_vreg.gather [hbm4b:s2+s3], $0x80, v4, vm0, $0xb8;
	[tilespmem:$0x10200] =	vst v63  }
0xb2: {  	s14 =	simm.s32 $0xEA00  }
0xb3: {  	[tilespmem:s14], [sflag:$0x2] =	stream.indirect_vreg.gather [hbm4b:s2+s3], $0x80, v3, vm0, $0xb8;
	[tilespmem:$0x10200] =	vst v63  }
0xb4: {  	v3 =	vld [tilespmem:$0xF0];
	_ =	sdelay $0x4  }
0xb5: {  	v47 =	vshll.u32 v3, $0x1  }
0xb6: {  	v3 =	vand.u32 $0x7, v3;
	v4 =	vand.u32 $0xFFFFFFF0, v47  }
0xb7: {  	v3 =	vor.u32 v3, v4  }
0xb8: {  	v4 =	vperm.xlane v3, v0;
	_ =	sdelay $0x1  }
0xb9: {  	v3 =	vperm.xlane v3, v2;
	v4 =	vadd.s32 v1, v4;
	_ =	sdelay $0x1  }
0xba: {  	v3 =	vadd.s32 v1, v3;
	_ =	sdelay $0x1  }
0xbb: {  	s14 =	simm.s32 $0xF200  }
0xbc: {  	[tilespmem:s14], [sflag:$0x2] =	stream.indirect_vreg.gather [hbm4b:s2+s3], $0x80, v4, vm0, $0xb8;
	[tilespmem:$0x10200] =	vst v63  }
0xbd: {  	s14 =	simm.s32 $0xFA00  }
0xbe: {  	[tilespmem:s14], [sflag:$0x2] =	stream.indirect_vreg.gather [hbm4b:s2+s3], $0x80, v3, vm0, $0xb8;
	[tilespmem:$0x10200] =	vst v63  }
0xbf: {  	_ =	swait.ge [sflag:s1], $0x8000  }
0xc0: {  	[sflag:s1] =	ssyncset.done $0x0  }
0xc1: {  	s12 =	simm.s32 $0x200;
	s14 =	rddreg [dreg:$0x5];
	[sflag:s1] =	ssyncadd.s32 $0xFFFF8000  }
0xc2: {  	[hbm4b:s14+s3] =	stream.linear.scatter [tilespmem:s12], [sflag:$0x3], $0x8000, $0x38;
	[tilespmem:$0x10200] =	vst v63  }
0xc3: {  	_ =	swait.ge [sflag:s5], $0x8000  }
0xc4: {  	[sflag:s5] =	ssyncset.done $0x0  }
0xc5: {  	[sflag:s5] =	ssyncadd.s32 $0xFFFF8000  }
0xc6: {  	v3 =	vld [tilespmem:$0x100];
	_ =	sdelay $0x4  }
0xc7: {  	v48 =	vshll.u32 v3, $0x1  }
0xc8: {  	v3 =	vand.u32 $0x7, v3;
	v4 =	vand.u32 $0xFFFFFFF0, v48  }
0xc9: {  	v3 =	vor.u32 v3, v4  }
0xca: {  	v4 =	vperm.xlane v3, v0;
	_ =	sdelay $0x1  }
0xcb: {  	v3 =	vperm.xlane v3, v2;
	v4 =	vadd.s32 v1, v4;
	_ =	sdelay $0x1  }
0xcc: {  	v3 =	vadd.s32 v1, v3;
	_ =	sdelay $0x2  }
0xcd: {  	[tilespmem:s12], [sflag:$0x1] =	stream.indirect_vreg.gather [hbm4b:s2+s3], $0x80, v4, vm0, $0xb8;
	[tilespmem:$0x10200] =	vst v63  }
0xce: {  	_ = 	snop  }
0xcf: {  	[tilespmem:s15], [sflag:$0x1] =	stream.indirect_vreg.gather [hbm4b:s2+s3], $0x80, v3, vm0, $0xb8;
	[tilespmem:$0x10200] =	vst v63  }
0xd0: {  	v3 =	vld [tilespmem:$0x110];
	_ =	sdelay $0x4  }
0xd1: {  	v49 =	vshll.u32 v3, $0x1  }
0xd2: {  	v3 =	vand.u32 $0x7, v3;
	v4 =	vand.u32 $0xFFFFFFF0, v49  }
0xd3: {  	v3 =	vor.u32 v3, v4  }
0xd4: {  	v4 =	vperm.xlane v3, v0;
	_ =	sdelay $0x1  }
0xd5: {  	v3 =	vperm.xlane v3, v2;
	v4 =	vadd.s32 v1, v4;
	_ =	sdelay $0x1  }
0xd6: {  	v3 =	vadd.s32 v1, v3;
	_ =	sdelay $0x2  }
0xd7: {  	[tilespmem:s16], [sflag:$0x1] =	stream.indirect_vreg.gather [hbm4b:s2+s3], $0x80, v4, vm0, $0xb8;
	[tilespmem:$0x10200] =	vst v63  }
0xd8: {  	_ = 	snop  }
0xd9: {  	[tilespmem:s17], [sflag:$0x1] =	stream.indirect_vreg.gather [hbm4b:s2+s3], $0x80, v3, vm0, $0xb8;
	[tilespmem:$0x10200] =	vst v63  }
0xda: {  	v3 =	vld [tilespmem:$0x120];
	_ =	sdelay $0x4  }
0xdb: {  	v50 =	vshll.u32 v3, $0x1  }
0xdc: {  	v3 =	vand.u32 $0x7, v3;
	v4 =	vand.u32 $0xFFFFFFF0, v50  }
0xdd: {  	v3 =	vor.u32 v3, v4  }
0xde: {  	v4 =	vperm.xlane v3, v0;
	_ =	sdelay $0x1  }
0xdf: {  	v3 =	vperm.xlane v3, v2;
	v4 =	vadd.s32 v1, v4;
	_ =	sdelay $0x1  }
0xe0: {  	v3 =	vadd.s32 v1, v3;
	_ =	sdelay $0x2  }
0xe1: {  	[tilespmem:s18], [sflag:$0x1] =	stream.indirect_vreg.gather [hbm4b:s2+s3], $0x80, v4, vm0, $0xb8;
	[tilespmem:$0x10200] =	vst v63  }
0xe2: {  	_ = 	snop  }
0xe3: {  	[tilespmem:s19], [sflag:$0x1] =	stream.indirect_vreg.gather [hbm4b:s2+s3], $0x80, v3, vm0, $0xb8;
	[tilespmem:$0x10200] =	vst v63  }
0xe4: {  	v3 =	vld [tilespmem:$0x130];
	_ =	sdelay $0x4  }
0xe5: {  	v51 =	vshll.u32 v3, $0x1  }
0xe6: {  	v3 =	vand.u32 $0x7, v3;
	v4 =	vand.u32 $0xFFFFFFF0, v51  }
0xe7: {  	v3 =	vor.u32 v3, v4  }
0xe8: {  	v4 =	vperm.xlane v3, v0;
	_ =	sdelay $0x1  }
0xe9: {  	v3 =	vperm.xlane v3, v2;
	v4 =	vadd.s32 v1, v4;
	_ =	sdelay $0x1  }
0xea: {  	v3 =	vadd.s32 v1, v3;
	_ =	sdelay $0x2  }
0xeb: {  	[tilespmem:s20], [sflag:$0x1] =	stream.indirect_vreg.gather [hbm4b:s2+s3], $0x80, v4, vm0, $0xb8;
	[tilespmem:$0x10200] =	vst v63  }
0xec: {  	_ = 	snop  }
0xed: {  	[tilespmem:s21], [sflag:$0x1] =	stream.indirect_vreg.gather [hbm4b:s2+s3], $0x80, v3, vm0, $0xb8;
	[tilespmem:$0x10200] =	vst v63  }
0xee: {  	v3 =	vld [tilespmem:$0x140];
	_ =	sdelay $0x4  }
0xef: {  	v52 =	vshll.u32 v3, $0x1  }
0xf0: {  	v3 =	vand.u32 $0x7, v3;
	v4 =	vand.u32 $0xFFFFFFF0, v52  }
0xf1: {  	v3 =	vor.u32 v3, v4  }
0xf2: {  	v4 =	vperm.xlane v3, v0;
	_ =	sdelay $0x1  }
0xf3: {  	v3 =	vperm.xlane v3, v2;
	v4 =	vadd.s32 v1, v4;
	_ =	sdelay $0x1  }
0xf4: {  	v3 =	vadd.s32 v1, v3;
	_ =	sdelay $0x2  }
0xf5: {  	[tilespmem:s23], [sflag:$0x1] =	stream.indirect_vreg.gather [hbm4b:s2+s3], $0x80, v4, vm0, $0xb8;
	[tilespmem:$0x10200] =	vst v63  }
0xf6: {  	_ = 	snop  }
0xf7: {  	[tilespmem:s24], [sflag:$0x1] =	stream.indirect_vreg.gather [hbm4b:s2+s3], $0x80, v3, vm0, $0xb8;
	[tilespmem:$0x10200] =	vst v63  }
0xf8: {  	v3 =	vld [tilespmem:$0x150];
	_ =	sdelay $0x4  }
0xf9: {  	v53 =	vshll.u32 v3, $0x1  }
0xfa: {  	v3 =	vand.u32 $0x7, v3;
	v4 =	vand.u32 $0xFFFFFFF0, v53  }
0xfb: {  	v3 =	vor.u32 v3, v4  }
0xfc: {  	v4 =	vperm.xlane v3, v0;
	_ =	sdelay $0x1  }
0xfd: {  	v3 =	vperm.xlane v3, v2;
	v4 =	vadd.s32 v1, v4;
	_ =	sdelay $0x1  }
0xfe: {  	v3 =	vadd.s32 v1, v3;
	_ =	sdelay $0x2  }
0xff: {  	[tilespmem:s25], [sflag:$0x1] =	stream.indirect_vreg.gather [hbm4b:s2+s3], $0x80, v4, vm0, $0xb8;
	[tilespmem:$0x10200] =	vst v63  }
0x100: {  	_ = 	snop  }
0x101: {  	[tilespmem:s26], [sflag:$0x1] =	stream.indirect_vreg.gather [hbm4b:s2+s3], $0x80, v3, vm0, $0xb8;
	[tilespmem:$0x10200] =	vst v63  }
0x102: {  	v3 =	vld [tilespmem:$0x160];
	_ =	sdelay $0x4  }
0x103: {  	v54 =	vshll.u32 v3, $0x1  }
0x104: {  	v3 =	vand.u32 $0x7, v3;
	v4 =	vand.u32 $0xFFFFFFF0, v54  }
0x105: {  	v3 =	vor.u32 v3, v4  }
0x106: {  	v4 =	vperm.xlane v3, v0;
	_ =	sdelay $0x1  }
0x107: {  	v3 =	vperm.xlane v3, v2;
	v4 =	vadd.s32 v1, v4;
	_ =	sdelay $0x1  }
0x108: {  	v3 =	vadd.s32 v1, v3;
	_ =	sdelay $0x2  }
0x109: {  	[tilespmem:s28], [sflag:$0x1] =	stream.indirect_vreg.gather [hbm4b:s2+s3], $0x80, v4, vm0, $0xb8;
	[tilespmem:$0x10200] =	vst v63  }
0x10a: {  	_ = 	snop  }
0x10b: {  	[tilespmem:s29], [sflag:$0x1] =	stream.indirect_vreg.gather [hbm4b:s2+s3], $0x80, v3, vm0, $0xb8;
	[tilespmem:$0x10200] =	vst v63  }
0x10c: {  	v3 =	vld [tilespmem:$0x170];
	_ =	sdelay $0x4  }
0x10d: {  	v55 =	vshll.u32 v3, $0x1  }
0x10e: {  	v3 =	vand.u32 $0x7, v3;
	v4 =	vand.u32 $0xFFFFFFF0, v55  }
0x10f: {  	v3 =	vor.u32 v3, v4  }
0x110: {  	v4 =	vperm.xlane v3, v0;
	_ =	sdelay $0x1  }
0x111: {  	v3 =	vperm.xlane v3, v2;
	v4 =	vadd.s32 v1, v4;
	_ =	sdelay $0x1  }
0x112: {  	v3 =	vadd.s32 v1, v3;
	_ =	sdelay $0x2  }
0x113: {  	[tilespmem:s30], [sflag:$0x1] =	stream.indirect_vreg.gather [hbm4b:s2+s3], $0x80, v4, vm0, $0xb8;
	[tilespmem:$0x10200] =	vst v63  }
0x114: {  	_ = 	snop  }
0x115: {  	[tilespmem:s31], [sflag:$0x1] =	stream.indirect_vreg.gather [hbm4b:s2+s3], $0x80, v3, vm0, $0xb8;
	[tilespmem:$0x10200] =	vst v63  }
0x116: {  	_ =	swait.ge [sflag:s13], $0x8000  }
0x117: {  	[sflag:s13] =	ssyncset.done $0x0  }
0x118: {  	s12 =	rddreg [dreg:$0x6];
	[sflag:s13] =	ssyncadd.s32 $0xFFFF8000  }
0x119: {  	[hbm4b:s12+s3] =	stream.linear.scatter [tilespmem:s0], [sflag:$0x3], $0x8000, $0x38;
	[tilespmem:$0x10200] =	vst v63  }
0x11a: {  	_ =	swait.ge [sflag:s5], $0x8000  }
0x11b: {  	[sflag:s5] =	ssyncset.done $0x0  }
0x11c: {  	[sflag:s5] =	ssyncadd.s32 $0xFFFF8000  }
0x11d: {  	v3 =	vld [tilespmem:$0x180];
	_ =	sdelay $0x4  }
0x11e: {  	v56 =	vshll.u32 v3, $0x1  }
0x11f: {  	v3 =	vand.u32 $0x7, v3;
	v4 =	vand.u32 $0xFFFFFFF0, v56  }
0x120: {  	v3 =	vor.u32 v3, v4  }
0x121: {  	v4 =	vperm.xlane v3, v0;
	_ =	sdelay $0x1  }
0x122: {  	v3 =	vperm.xlane v3, v2;
	v4 =	vadd.s32 v1, v4;
	_ =	sdelay $0x1  }
0x123: {  	v3 =	vadd.s32 v1, v3;
	_ =	sdelay $0x2  }
0x124: {  	[tilespmem:s0], [sflag:$0x2] =	stream.indirect_vreg.gather [hbm4b:s2+s3], $0x80, v4, vm0, $0xb8;
	[tilespmem:$0x10200] =	vst v63  }
0x125: {  	s14 =	simm.s32 $0x8A00  }
0x126: {  	[tilespmem:s14], [sflag:$0x2] =	stream.indirect_vreg.gather [hbm4b:s2+s3], $0x80, v3, vm0, $0xb8;
	[tilespmem:$0x10200] =	vst v63  }
0x127: {  	v3 =	vld [tilespmem:$0x190];
	_ =	sdelay $0x4  }
0x128: {  	v57 =	vshll.u32 v3, $0x1  }
0x129: {  	v3 =	vand.u32 $0x7, v3;
	v4 =	vand.u32 $0xFFFFFFF0, v57  }
0x12a: {  	v3 =	vor.u32 v3, v4  }
0x12b: {  	v4 =	vperm.xlane v3, v0;
	_ =	sdelay $0x1  }
0x12c: {  	v3 =	vperm.xlane v3, v2;
	v4 =	vadd.s32 v1, v4;
	_ =	sdelay $0x1  }
0x12d: {  	v3 =	vadd.s32 v1, v3;
	_ =	sdelay $0x2  }
0x12e: {  	[tilespmem:s22], [sflag:$0x2] =	stream.indirect_vreg.gather [hbm4b:s2+s3], $0x80, v4, vm0, $0xb8;
	[tilespmem:$0x10200] =	vst v63  }
0x12f: {  	_ = 	snop  }
0x130: {  	[tilespmem:s7], [sflag:$0x2] =	stream.indirect_vreg.gather [hbm4b:s2+s3], $0x80, v3, vm0, $0xb8;
	[tilespmem:$0x10200] =	vst v63  }
0x131: {  	v3 =	vld [tilespmem:$0x1A0];
	_ =	sdelay $0x4  }
0x132: {  	v58 =	vshll.u32 v3, $0x1  }
0x133: {  	v3 =	vand.u32 $0x7, v3;
	v4 =	vand.u32 $0xFFFFFFF0, v58  }
0x134: {  	v3 =	vor.u32 v3, v4  }
0x135: {  	v4 =	vperm.xlane v3, v0;
	_ =	sdelay $0x1  }
0x136: {  	v3 =	vperm.xlane v3, v2;
	v4 =	vadd.s32 v1, v4;
	_ =	sdelay $0x1  }
0x137: {  	v3 =	vadd.s32 v1, v3;
	_ =	sdelay $0x2  }
0x138: {  	[tilespmem:s8], [sflag:$0x2] =	stream.indirect_vreg.gather [hbm4b:s2+s3], $0x80, v4, vm0, $0xb8;
	[tilespmem:$0x10200] =	vst v63  }
0x139: {  	_ = 	snop  }
0x13a: {  	[tilespmem:s9], [sflag:$0x2] =	stream.indirect_vreg.gather [hbm4b:s2+s3], $0x80, v3, vm0, $0xb8;
	[tilespmem:$0x10200] =	vst v63  }
0x13b: {  	v3 =	vld [tilespmem:$0x1B0];
	_ =	sdelay $0x4  }
0x13c: {  	v59 =	vshll.u32 v3, $0x1  }
0x13d: {  	v3 =	vand.u32 $0x7, v3;
	v4 =	vand.u32 $0xFFFFFFF0, v59  }
0x13e: {  	v3 =	vor.u32 v3, v4  }
0x13f: {  	v4 =	vperm.xlane v3, v0;
	_ =	sdelay $0x1  }
0x140: {  	v3 =	vperm.xlane v3, v2;
	v4 =	vadd.s32 v1, v4;
	_ =	sdelay $0x1  }
0x141: {  	v3 =	vadd.s32 v1, v3;
	_ =	sdelay $0x2  }
0x142: {  	[tilespmem:s10], [sflag:$0x2] =	stream.indirect_vreg.gather [hbm4b:s2+s3], $0x80, v4, vm0, $0xb8;
	[tilespmem:$0x10200] =	vst v63  }
0x143: {  	_ = 	snop  }
0x144: {  	[tilespmem:s11], [sflag:$0x2] =	stream.indirect_vreg.gather [hbm4b:s2+s3], $0x80, v3, vm0, $0xb8;
	[tilespmem:$0x10200] =	vst v63  }
0x145: {  	v3 =	vld [tilespmem:$0x1C0];
	_ =	sdelay $0x4  }
0x146: {  	v60 =	vshll.u32 v3, $0x1  }
0x147: {  	v3 =	vand.u32 $0x7, v3;
	v4 =	vand.u32 $0xFFFFFFF0, v60  }
0x148: {  	v3 =	vor.u32 v3, v4  }
0x149: {  	v4 =	vperm.xlane v3, v0;
	_ =	sdelay $0x1  }
0x14a: {  	v3 =	vperm.xlane v3, v2;
	v4 =	vadd.s32 v1, v4;
	_ =	sdelay $0x1  }
0x14b: {  	v3 =	vadd.s32 v1, v3;
	_ =	sdelay $0x2  }
0x14c: {  	[tilespmem:s6], [sflag:$0x2] =	stream.indirect_vreg.gather [hbm4b:s2+s3], $0x80, v4, vm0, $0xb8;
	[tilespmem:$0x10200] =	vst v63  }
0x14d: {  	s14 =	simm.s32 $0xCA00  }
0x14e: {  	[tilespmem:s14], [sflag:$0x2] =	stream.indirect_vreg.gather [hbm4b:s2+s3], $0x80, v3, vm0, $0xb8;
	[tilespmem:$0x10200] =	vst v63  }
0x14f: {  	v3 =	vld [tilespmem:$0x1D0];
	_ =	sdelay $0x4  }
0x150: {  	v61 =	vshll.u32 v3, $0x1  }
0x151: {  	v3 =	vand.u32 $0x7, v3;
	v4 =	vand.u32 $0xFFFFFFF0, v61  }
0x152: {  	v3 =	vor.u32 v3, v4  }
0x153: {  	v4 =	vperm.xlane v3, v0;
	_ =	sdelay $0x1  }
0x154: {  	v3 =	vperm.xlane v3, v2;
	v4 =	vadd.s32 v1, v4;
	_ =	sdelay $0x1  }
0x155: {  	v3 =	vadd.s32 v1, v3;
	_ =	sdelay $0x1  }
0x156: {  	s12 =	simm.s32 $0xD200  }
0x157: {  	[tilespmem:s12], [sflag:$0x2] =	stream.indirect_vreg.gather [hbm4b:s2+s3], $0x80, v4, vm0, $0xb8;
	[tilespmem:$0x10200] =	vst v63  }
0x158: {  	s14 =	simm.s32 $0xDA00  }
0x159: {  	[tilespmem:s14], [sflag:$0x2] =	stream.indirect_vreg.gather [hbm4b:s2+s3], $0x80, v3, vm0, $0xb8;
	[tilespmem:$0x10200] =	vst v63  }
0x15a: {  	v3 =	vld [tilespmem:$0x1E0];
	_ =	sdelay $0x4  }
0x15b: {  	v62 =	vshll.u32 v3, $0x1  }
0x15c: {  	v3 =	vand.u32 $0x7, v3;
	v4 =	vand.u32 $0xFFFFFFF0, v62  }
0x15d: {  	v3 =	vor.u32 v3, v4  }
0x15e: {  	v4 =	vperm.xlane v3, v0;
	_ =	sdelay $0x1  }
0x15f: {  	v3 =	vperm.xlane v3, v2;
	v4 =	vadd.s32 v1, v4;
	_ =	sdelay $0x1  }
0x160: {  	v3 =	vadd.s32 v1, v3;
	_ =	sdelay $0x1  }
0x161: {  	s12 =	simm.s32 $0xE200  }
0x162: {  	[tilespmem:s12], [sflag:$0x2] =	stream.indirect_vreg.gather [hbm4b:s2+s3], $0x80, v4, vm0, $0xb8;
	[tilespmem:$0x10200] =	vst v63  }
0x163: {  	s14 =	simm.s32 $0xEA00  }
0x164: {  	[tilespmem:s14], [sflag:$0x2] =	stream.indirect_vreg.gather [hbm4b:s2+s3], $0x80, v3, vm0, $0xb8;
	[tilespmem:$0x10200] =	vst v63  }
0x165: {  	v3 =	vld [tilespmem:$0x1F0];
	_ =	sdelay $0x4  }
0x166: {  	v63 =	vshll.u32 v3, $0x1  }
0x167: {  	v3 =	vand.u32 $0x7, v3;
	v4 =	vand.u32 $0xFFFFFFF0, v63  }
0x168: {  	v3 =	vor.u32 v3, v4  }
0x169: {  	v4 =	vperm.xlane v3, v0;
	_ =	sdelay $0x1  }
0x16a: {  	v3 =	vperm.xlane v3, v2;
	v4 =	vadd.s32 v1, v4;
	_ =	sdelay $0x1  }
0x16b: {  	v3 =	vadd.s32 v1, v3;
	_ =	sdelay $0x1  }
0x16c: {  	s12 =	simm.s32 $0xF200  }
0x16d: {  	[tilespmem:s12], [sflag:$0x2] =	stream.indirect_vreg.gather [hbm4b:s2+s3], $0x80, v4, vm0, $0xb8;
	[tilespmem:$0x10200] =	vst v63  }
0x16e: {  	s14 =	simm.s32 $0xFA00  }
0x16f: {  	[tilespmem:s14], [sflag:$0x2] =	stream.indirect_vreg.gather [hbm4b:s2+s3], $0x80, v3, vm0, $0xb8;
	[tilespmem:$0x10200] =	vst v63  }
0x170: {  	_ =	swait.ge [sflag:s1], $0x8000  }
0x171: {  	[sflag:s1] =	ssyncset.done $0x0  }
0x172: {  	s12 =	simm.s32 $0x200;
	s6 =	rddreg [dreg:$0x7];
	[sflag:s1] =	ssyncadd.s32 $0xFFFF8000  }
0x173: {  	[hbm4b:s6+s3] =	stream.linear.scatter [tilespmem:s12], [sflag:$0x3], $0x8000, $0x38;
	[tilespmem:$0x10200] =	vst v63  }
0x174: {  	_ =	swait.ge [sflag:s5], $0x8000  }
0x175: {  	[sflag:s5] =	ssyncset.done $0x0  }
0x176: {  	[sflag:s5] =	ssyncadd.s32 $0xFFFF8000  }
0x177: {  	_ =	swait.ge [sflag:s13], $0x8000  }
0x178: {  	p0 =	sne.s32 s4, $0x1;
	[sflag:s13] =	ssyncset.done $0x0  }
.Ltmp0:
0x179: {  	s12 =	rddreg [dreg:$0x8];
	[sflag:s13] =	ssyncadd.s32 $0xFFFF8000;
	(pc) =	sbr.rel @p0 .LBB2_1-.Ltmp0, $4  }
0x17a: {  	[hbm4b:s12+s3] =	stream.linear.scatter [tilespmem:s0], [sflag:$0x3], $0x8000, $0x38;
	[tilespmem:$0x10200] =	vst v63  }
0x17b: {  	_ =	swait.ge [sflag:s5], $0x8000  }
0x17c: {  	[sflag:s5] =	ssyncset.done $0x0  }
0x17d: {  	s4 =	sadd.s32 $0xFFFFFFFF, s4;
	[sflag:s5] =	ssyncadd.s32 $0xFFFF8000  }
0x17e: {  	_ =	sfence.sel $0x180000  }
0x17f: {  	[bflag:$0x0] =	sbarrier.arrive $0xFFFF  }
0x180: {  	_ =	strace $0x90000047  }
0x181: {  	s0 =	stileid.u32;
	[bflag:$0x2] =	sbarrier.arrive $0xFFFF  }
0x182: {  	p0 =	sne.s32 s0, $0x0;
	s0 =	rddreg [dreg:$0x3]  }
0x183: {  	s0 =	sadd.s32 @!p0 $0x100000, s0  }
0x184: {  	[sflag:s0] =	ssyncadd.tile.s32 @!p0 $0x1;
	_ =	shalt  }
.Lfunc_end2:
_tile_overlayer_lowered:
.L_overlay_start_2:
0x185: {  	(tag) =	ssettag $0x2  }
0x186: {  	s0 =	rddreg [dreg:$0x0];
	s2 =	stileid.u32  }
0x187: {  	s1 =	rddreg [dreg:$0x1];
	p0 =	sne.s32 s2, $0x0  }
0x188: {  	s3 =	rddreg [dreg:$0x2];
	[bflag:$0x3] =	sbarrier.arrive $0xFFFF;
	s2 =	simm.s32 @!p0 $0x1C03  }
0x189: {  	[timem:s3], [sflag:s2] =	dma.local @!p0 [hbm:s0], s1  }
0x18a: {  	s0 =	simm.s32 @!p0 $0x3  }
0x18b: {  	_ =	swait.ge @!p0 [sflag:s0], s1  }
0x18c: {  	s1 =	ssub.s32 @!p0 $0x0, s1;
	[sflag:s0] =	ssyncset.done @!p0 $0x0  }
0x18d: {  	[sflag:s0] =	ssyncadd.s32 @!p0 s1  }
0x18e: {  	[bflag:$0x3] =	sbarrier.arrive $0xFFFF  }
0x18f: {  	_ =	shalt  }

</sc_bundles>
